<compile_context>
chip_gen: v7x
topology: tpu7x:2x2x1
jax: 0.10.2.dev20260603
libtpu: 0.0.44.dev20260713+nightly
codegen_flags: <defaults>
</compile_context>

<pallas_src>
import functools
import jax
import jax.numpy as jnp
from jax import lax
from jax.experimental import pallas as pl
from jax.experimental.pallas import tpu as pltpu
from jax.experimental.pallas import tpu_sc as plsc

_SIG_WEIGHT = 30.0
_CLOSE_MIN = 0.05

_W = 224
_H = 224
_NW = 16
_CPR = _W // 16
_RPW = 4
_TC_ROW0 = _NW * _RPW


def _lane_shift(x, idx):
    return lax.gather(
        x, idx[:, None],
        dimension_numbers=lax.GatherDimensionNumbers(
            offset_dims=(), collapsed_slice_dims=(0,), start_index_map=(0,)),
        slice_sizes=(1,),
        mode=lax.GatherScatterMode.PROMISE_IN_BOUNDS)


def _sc_body(r_hbm, a_hbm, out_hbm, a_b, r_b, acc_v, sem):
    wid = lax.axis_index("s")
    rows = pl.ds((wid // 2) * 8, 8)
    copies = [
        pltpu.async_copy(a_hbm.at[0, 0, rows, pl.ds(0, 128)],
                         a_b.at[:, pl.ds(0, 128)], sem),
        pltpu.async_copy(a_hbm.at[0, 0, rows, pl.ds(128, 96)],
                         a_b.at[:, pl.ds(128, 96)], sem),
        pltpu.async_copy(r_hbm.at[0, 0, rows, pl.ds(0, 128)],
                         r_b.at[:, pl.ds(0, 128)], sem),
        pltpu.async_copy(r_hbm.at[0, 0, rows, pl.ds(128, 96)],
                         r_b.at[:, pl.ds(128, 96)], sem),
    ]
    for cp in copies:
        cp.wait()

    zero = jnp.zeros((16,), jnp.float32)
    r0 = lax.rem(wid, 2) * _RPW

    def chunk_loss(col, r, a, an, ap):
        vn_m = (col < _W - 1) & (an != 0.0)
        vs = a != 0.0
        vs_m = (col >= 1) & vs
        vp_m = (col >= 2) & (ap != 0.0)
        m = jnp.where(vn_m, an, jnp.where(vs_m, a, jnp.where(vp_m, ap, a)))
        d0 = r - a
        orig_mse = d0 * d0
        dm = r - m
        alt = dm * dm * dm + _CLOSE_MIN
        loss = jnp.minimum(orig_mse, alt)
        return jnp.where(vs, loss * _SIG_WEIGHT, loss)

    def do_row(ri, accs):
        i = r0 + ri
        lane = lax.iota(jnp.int32, 16)
        idx_sl = jnp.minimum(lane + 1, 15)
        idx_sr = jnp.maximum(lane - 1, 0)

        def one_chunk(ch, acc, a, hi):
            o16 = 16 * ch
            a_next = a_b[i, pl.ds(o16 + 16, 16)]
            r = r_b[i, pl.ds(o16, 16)]
            col = lane + o16
            sl = _lane_shift(a, idx_sl)
            lo = _lane_shift(a_next, lane * 0)
            an = jnp.where(lane < 15, sl, lo)
            ap = jnp.where(lane > 0, _lane_shift(a, idx_sr), hi)
            loss = chunk_loss(col, r, a, an, ap)
            hi_next = _lane_shift(a, lane * 0 + 15)
            return acc + loss, a_next, hi_next

        def step(k, carry):
            acc0, acc1, a, hi = carry
            acc0, a, hi = one_chunk(2 * k, acc0, a, hi)
            acc1, a, hi = one_chunk(2 * k + 1, acc1, a, hi)
            return acc0, acc1, a, hi

        a0 = a_b[i, pl.ds(0, 16)]
        acc0, acc1, a12, hi12 = lax.fori_loop(
            0, (_CPR - 2) // 2, step, (accs[0], accs[1], a0, zero))
        acc0, a13, hi13 = one_chunk(_CPR - 2, acc0, a12, hi12)
        r13 = r_b[i, pl.ds(16 * (_CPR - 1), 16)]
        col = lane + 16 * (_CPR - 1)
        an = _lane_shift(a13, idx_sl)
        ap = jnp.where(lane > 0, _lane_shift(a13, idx_sr), hi13)
        loss = chunk_loss(col, r13, a13, an, ap)
        return acc0 + loss, acc1

    acc0, acc1 = lax.fori_loop(0, _RPW, do_row, (zero, zero))
    acc_v[...] = acc0 + acc1
    pltpu.sync_copy(acc_v, out_hbm.at[wid])


def _tc_kernel(r_ref, a_ref, o_ref):
    img = pl.program_id(0)
    a = a_ref[0, 0]
    r = r_ref[0, 0]
    row = jax.lax.broadcasted_iota(jnp.int32, a.shape, 0)
    col = jax.lax.broadcasted_iota(jnp.int32, a.shape, 1)
    a_next = jnp.concatenate([a[:, 1:], a[:, :1]], axis=1)
    a_prev = jnp.concatenate([a[:, -1:], a[:, :-1]], axis=1)
    valid_next = (col < _W - 1) & (a_next != 0.0)
    valid_self = (col >= 1) & (a != 0.0)
    valid_prev = (col >= 2) & (a_prev != 0.0)
    m = jnp.where(valid_next, a_next,
                  jnp.where(valid_self, a,
                            jnp.where(valid_prev, a_prev, a)))
    d0 = r - a
    orig_mse = d0 * d0
    dm = r - m
    alt = dm * dm * dm + _CLOSE_MIN
    loss = jnp.minimum(orig_mse, alt)
    loss = jnp.where(a != 0.0, loss * _SIG_WEIGHT, loss)
    row0 = jnp.where(img == 0, _TC_ROW0, 0)
    loss = jnp.where(row >= row0, loss, 0.0)
    s = jnp.sum(loss)

    @pl.when(img == 0)
    def _():
        o_ref[0, 0] = s

    @pl.when(img == 1)
    def _():
        o_ref[0, 0] = o_ref[0, 0] + s


def kernel(reconstruction, original):
    mesh = plsc.VectorSubcoreMesh(core_axis_name="c", subcore_axis_name="s",
                                  num_cores=1)
    sc_fn = functools.partial(
        pl.kernel, mesh=mesh,
        out_type=jax.ShapeDtypeStruct((_NW, 16), jnp.float32),
        scratch_types=[
            pltpu.VMEM((8, _W), jnp.float32),
            pltpu.VMEM((8, _W), jnp.float32),
            pltpu.VMEM((16,), jnp.float32),
            pltpu.SemaphoreType.DMA,
        ],
    )(_sc_body)
    partials = sc_fn(reconstruction, original)

    img = pl.BlockSpec((1, 1, _H, _W), lambda i: (i, 0, 0, 0))
    tc_sum = pl.pallas_call(
        _tc_kernel,
        grid=(2,),
        out_shape=jax.ShapeDtypeStruct((1, 1), jnp.float32),
        in_specs=[img, img],
        out_specs=pl.BlockSpec((1, 1), lambda i: (0, 0),
                               memory_space=pltpu.SMEM),
    )(reconstruction, original)

    return (jnp.sum(partials) + tc_sum[0, 0]) / (2 * _H * _W)

# --- scband reference (transcript-rebuilt; emitter-appended) ---
"""Pipeline reference for scband-max-loss-62251255988863 (READ-ONLY COPY).

The authoritative reference and input builder live on the scoring server;
editing this copy changes nothing except your own understanding.
"""

import jax, jax.numpy as jnp
import numpy as np

FURTHEST = 1
SIG_WEIGHT = 30.0
CLOSE_MIN = 0.05


def setup_inputs(seed: int = 0):
    key = jax.random.key(seed)
    k1, k2 = jax.random.split(key)
    reconstruction = jax.random.normal(k1, (2, 1, 224, 224), dtype=jnp.float32)
    original = jax.random.normal(k2, (2, 1, 224, 224), dtype=jnp.float32)
    return {"reconstruction": reconstruction, "original": original}


def reference(reconstruction, original):
    # Emulates the sequential torch loop:
    #   for (img, chan, x, y) in nonzero(original):  # row-major order
    #       original_mod[img, 0, x, y-f:y+f+1] = original[img, 0, x, y]
    # Later writes overwrite earlier ones -> winner at each cell is the
    # covering nonzero point with the LARGEST row-major rank. Rank is
    # monotone in the linear index, so within a fixed (img, x) the winner
    # is the nonzero source with the LARGEST column y covering the cell.
    # Torch edge case: slice start y-f < 0 wraps to W+(y-f) giving an EMPTY
    # slice (start >= stop), i.e. points with y < f write NOTHING.
    # Slice stop y+f+1 > W simply clamps to W.
    B, C, H, W = original.shape
    onz = original != 0
    yt = jnp.arange(W, dtype=jnp.int32)
    best = jnp.full((B, C, H, W), -1, dtype=jnp.int32)
    for o in range(-FURTHEST, FURTHEST + 1):
        y = yt + o
        inb = (y >= 0) & (y < W) & (y >= FURTHEST)
        yc = jnp.clip(y, 0, W - 1)
        src_nz = jnp.take(onz, yc, axis=3)
        valid = inb & src_nz
        best = jnp.where(valid, y, best)
    val = jnp.take_along_axis(original, jnp.maximum(best, 0), axis=3)
    original_mod = jnp.where(best >= 0, val, original)
    orig_mseloss = (reconstruction - original) ** 2
    alt_mseloss = (reconstruction - original_mod) ** 3 + CLOSE_MIN
    mseloss = jnp.minimum(orig_mseloss, alt_mseloss)
    mask = onz
    mseloss = jnp.where(mask, mseloss * SIG_WEIGHT, mseloss)
    return jnp.mean(mseloss)

if __name__ == "__main__":
    import jax
    _d = setup_inputs()
    print(jax.jit(kernel)(*tuple(_d.values())))

</pallas_src>

<mosaic_0001>
#map = affine_map<(d0, d1) -> (0, 0, 0, 0)>
#map1 = affine_map<(d0, d1) -> (0, 0)>
module attributes {stable_mosaic.version = 14 : i64} {
  func.func @_sc_body(%arg0: i32, %arg1: i32, %arg2: memref<2x1x224x224xf32, #tpu.memory_space<hbm>>, %arg3: memref<2x1x224x224xf32, #tpu.memory_space<hbm>>, %arg4: memref<16x16xf32, #tpu.memory_space<hbm>>, %arg5: memref<8x224xf32, #tpu.memory_space<vmem>>, %arg6: memref<8x224xf32, #tpu.memory_space<vmem>>, %arg7: memref<16xf32, #tpu.memory_space<vmem>>, %arg8: memref<!tpu.dma_semaphore, #tpu.memory_space<semaphore_mem>>) attributes {dimension_semantics = [#tpu.dimension_semantics<core_parallel>, #tpu.dimension_semantics<subcore_parallel>], iteration_bounds = array<i64: 1, 16>, scalar_prefetch = 0 : i64, scratch_operands = 4 : i64, tpu.core_type = #tpu.core_type<sc_vector_subcore>, window_params = [{transform_indices = #map}, {transform_indices = #map}, {transform_indices = #map1}]} {
    %jit3A = arith.constant 2 : i32
    %div3A = arith.divsi %arg1, %jit3A : i32
    %sign3A = arith.constant 0 : i32
    %sign3A_0 = arith.cmpi sgt, %arg1, %sign3A : i32
    %sign3A_1 = arith.extui %sign3A_0 : i1 to i32
    %sign3A_2 = arith.constant 0 : i32
    %sign3A_3 = arith.cmpi slt, %arg1, %sign3A_2 : i32
    %sign3A_4 = arith.extui %sign3A_3 : i1 to i32
    %sign3A_5 = arith.subi %sign3A_1, %sign3A_4 : i32
    %sign3A_6 = arith.constant 0 : i32
    %sign3A_7 = arith.cmpi sgt, %jit3A, %sign3A_6 : i32
    %sign3A_8 = arith.extui %sign3A_7 : i1 to i32
    %sign3A_9 = arith.constant 0 : i32
    %sign3A_10 = arith.cmpi slt, %jit3A, %sign3A_9 : i32
    %sign3A_11 = arith.extui %sign3A_10 : i1 to i32
    %sign3A_12 = arith.subi %sign3A_8, %sign3A_11 : i32
    %ne3A = arith.cmpi ne, %sign3A_5, %sign3A_12 : i32
    %rem3A = arith.remsi %arg1, %jit3A : i32
    %ne3A_13 = arith.constant 0 : i32
    %ne3A_14 = arith.cmpi ne, %rem3A, %ne3A_13 : i32
    %and3A = arith.andi %ne3A, %ne3A_14 : i1
    %sub3A = arith.constant 1 : i32
    %sub3A_15 = arith.subi %div3A, %sub3A : i32
    %select_n3A = arith.select %and3A, %sub3A_15, %div3A : i32
    %mul3A = arith.constant 8 : i32
    %mul3A_16 = arith.muli %select_n3A, %mul3A : i32
    %dma_start3A = arith.constant 0 : i32
    %dma_start3A_17 = arith.constant 0 : i32
    %dma_start3A_18 = arith.constant 0 : i32
    %dma_start3A_19 = arith.constant 0 : i32
    %dma_start3A_20 = tpu.memref_slice %arg5[%dma_start3A_18, %dma_start3A_19] : memref<8x224xf32, #tpu.memory_space<vmem>> -> memref<8x128xf32, #tpu.memory_space<vmem>>
    %dma_start3A_21 = arith.constant 0 : i32
    %dma_start3A_22 = tpu.memref_slice %arg3[%dma_start3A, %dma_start3A_17, %mul3A_16, %dma_start3A_21] : memref<2x1x224x224xf32, #tpu.memory_space<hbm>> -> memref<1x1x8x128xf32, #tpu.memory_space<hbm>>
    %dma_start3A_23 = tpu.memref_squeeze %dma_start3A_22 : memref<1x1x8x128xf32, #tpu.memory_space<hbm>> -> memref<8x128xf32, #tpu.memory_space<hbm>>
    %dma_start3A_24 = arith.constant 0 : i32
    %dma_start3A_25 = arith.constant 0 : i32
    %dma_start3A_26 = tpu.memref_slice %arg5[%dma_start3A_24, %dma_start3A_25] : memref<8x224xf32, #tpu.memory_space<vmem>> -> memref<8x128xf32, #tpu.memory_space<vmem>>
    %dma_start3A_27 = arith.constant 0 : i32
    %dma_start3A_28 = tpu.memref_slice %arg3[%dma_start3A, %dma_start3A_17, %mul3A_16, %dma_start3A_27] : memref<2x1x224x224xf32, #tpu.memory_space<hbm>> -> memref<1x1x8x128xf32, #tpu.memory_space<hbm>>
    %dma_start3A_29 = tpu.memref_squeeze %dma_start3A_28 : memref<1x1x8x128xf32, #tpu.memory_space<hbm>> -> memref<8x128xf32, #tpu.memory_space<hbm>>
    tpu.enqueue_dma source(%dma_start3A_29 : memref<8x128xf32, #tpu.memory_space<hbm>>) target(%dma_start3A_26 : memref<8x128xf32, #tpu.memory_space<vmem>>) target_semaphore(%arg8 : memref<!tpu.dma_semaphore, #tpu.memory_space<semaphore_mem>>)
    %dma_start3A_30 = arith.constant 0 : i32
    %dma_start3A_31 = arith.constant 0 : i32
    %dma_start3A_32 = arith.constant 0 : i32
    %dma_start3A_33 = arith.constant 128 : i32
    %dma_start3A_34 = tpu.memref_slice %arg5[%dma_start3A_32, %dma_start3A_33] : memref<8x224xf32, #tpu.memory_space<vmem>> -> memref<8x96xf32, #tpu.memory_space<vmem>>
    %dma_start3A_35 = arith.constant 128 : i32
    %dma_start3A_36 = tpu.memref_slice %arg3[%dma_start3A_30, %dma_start3A_31, %mul3A_16, %dma_start3A_35] : memref<2x1x224x224xf32, #tpu.memory_space<hbm>> -> memref<1x1x8x96xf32, #tpu.memory_space<hbm>>
    %dma_start3A_37 = tpu.memref_squeeze %dma_start3A_36 : memref<1x1x8x96xf32, #tpu.memory_space<hbm>> -> memref<8x96xf32, #tpu.memory_space<hbm>>
    %dma_start3A_38 = arith.constant 0 : i32
    %dma_start3A_39 = arith.constant 128 : i32
    %dma_start3A_40 = tpu.memref_slice %arg5[%dma_start3A_38, %dma_start3A_39] : memref<8x224xf32, #tpu.memory_space<vmem>> -> memref<8x96xf32, #tpu.memory_space<vmem>>
    %dma_start3A_41 = arith.constant 128 : i32
    %dma_start3A_42 = tpu.memref_slice %arg3[%dma_start3A_30, %dma_start3A_31, %mul3A_16, %dma_start3A_41] : memref<2x1x224x224xf32, #tpu.memory_space<hbm>> -> memref<1x1x8x96xf32, #tpu.memory_space<hbm>>
    %dma_start3A_43 = tpu.memref_squeeze %dma_start3A_42 : memref<1x1x8x96xf32, #tpu.memory_space<hbm>> -> memref<8x96xf32, #tpu.memory_space<hbm>>
    tpu.enqueue_dma source(%dma_start3A_43 : memref<8x96xf32, #tpu.memory_space<hbm>>) target(%dma_start3A_40 : memref<8x96xf32, #tpu.memory_space<vmem>>) target_semaphore(%arg8 : memref<!tpu.dma_semaphore, #tpu.memory_space<semaphore_mem>>)
    %dma_start3A_44 = arith.constant 0 : i32
    %dma_start3A_45 = arith.constant 0 : i32
    %dma_start3A_46 = arith.constant 0 : i32
    %dma_start3A_47 = arith.constant 0 : i32
    %dma_start3A_48 = tpu.memref_slice %arg6[%dma_start3A_46, %dma_start3A_47] : memref<8x224xf32, #tpu.memory_space<vmem>> -> memref<8x128xf32, #tpu.memory_space<vmem>>
    %dma_start3A_49 = arith.constant 0 : i32
    %dma_start3A_50 = tpu.memref_slice %arg2[%dma_start3A_44, %dma_start3A_45, %mul3A_16, %dma_start3A_49] : memref<2x1x224x224xf32, #tpu.memory_space<hbm>> -> memref<1x1x8x128xf32, #tpu.memory_space<hbm>>
    %dma_start3A_51 = tpu.memref_squeeze %dma_start3A_50 : memref<1x1x8x128xf32, #tpu.memory_space<hbm>> -> memref<8x128xf32, #tpu.memory_space<hbm>>
    %dma_start3A_52 = arith.constant 0 : i32
    %dma_start3A_53 = arith.constant 0 : i32
    %dma_start3A_54 = tpu.memref_slice %arg6[%dma_start3A_52, %dma_start3A_53] : memref<8x224xf32, #tpu.memory_space<vmem>> -> memref<8x128xf32, #tpu.memory_space<vmem>>
    %dma_start3A_55 = arith.constant 0 : i32
    %dma_start3A_56 = tpu.memref_slice %arg2[%dma_start3A_44, %dma_start3A_45, %mul3A_16, %dma_start3A_55] : memref<2x1x224x224xf32, #tpu.memory_space<hbm>> -> memref<1x1x8x128xf32, #tpu.memory_space<hbm>>
    %dma_start3A_57 = tpu.memref_squeeze %dma_start3A_56 : memref<1x1x8x128xf32, #tpu.memory_space<hbm>> -> memref<8x128xf32, #tpu.memory_space<hbm>>
    tpu.enqueue_dma source(%dma_start3A_57 : memref<8x128xf32, #tpu.memory_space<hbm>>) target(%dma_start3A_54 : memref<8x128xf32, #tpu.memory_space<vmem>>) target_semaphore(%arg8 : memref<!tpu.dma_semaphore, #tpu.memory_space<semaphore_mem>>)
    %dma_start3A_58 = arith.constant 0 : i32
    %dma_start3A_59 = arith.constant 0 : i32
    %dma_start3A_60 = arith.constant 0 : i32
    %dma_start3A_61 = arith.constant 128 : i32
    %dma_start3A_62 = tpu.memref_slice %arg6[%dma_start3A_60, %dma_start3A_61] : memref<8x224xf32, #tpu.memory_space<vmem>> -> memref<8x96xf32, #tpu.memory_space<vmem>>
    %dma_start3A_63 = arith.constant 128 : i32
    %dma_start3A_64 = tpu.memref_slice %arg2[%dma_start3A_58, %dma_start3A_59, %mul3A_16, %dma_start3A_63] : memref<2x1x224x224xf32, #tpu.memory_space<hbm>> -> memref<1x1x8x96xf32, #tpu.memory_space<hbm>>
    %dma_start3A_65 = tpu.memref_squeeze %dma_start3A_64 : memref<1x1x8x96xf32, #tpu.memory_space<hbm>> -> memref<8x96xf32, #tpu.memory_space<hbm>>
    %dma_start3A_66 = arith.constant 0 : i32
    %dma_start3A_67 = arith.constant 128 : i32
    %dma_start3A_68 = tpu.memref_slice %arg6[%dma_start3A_66, %dma_start3A_67] : memref<8x224xf32, #tpu.memory_space<vmem>> -> memref<8x96xf32, #tpu.memory_space<vmem>>
    %dma_start3A_69 = arith.constant 128 : i32
    %dma_start3A_70 = tpu.memref_slice %arg2[%dma_start3A_58, %dma_start3A_59, %mul3A_16, %dma_start3A_69] : memref<2x1x224x224xf32, #tpu.memory_space<hbm>> -> memref<1x1x8x96xf32, #tpu.memory_space<hbm>>
    %dma_start3A_71 = tpu.memref_squeeze %dma_start3A_70 : memref<1x1x8x96xf32, #tpu.memory_space<hbm>> -> memref<8x96xf32, #tpu.memory_space<hbm>>
    tpu.enqueue_dma source(%dma_start3A_71 : memref<8x96xf32, #tpu.memory_space<hbm>>) target(%dma_start3A_68 : memref<8x96xf32, #tpu.memory_space<vmem>>) target_semaphore(%arg8 : memref<!tpu.dma_semaphore, #tpu.memory_space<semaphore_mem>>)
    %dma_wait3A = arith.constant 0 : i32
    %dma_wait3A_72 = arith.constant 0 : i32
    %dma_wait3A_73 = arith.constant 0 : i32
    %dma_wait3A_74 = arith.constant 0 : i32
    %dma_wait3A_75 = tpu.memref_slice %arg5[%dma_wait3A_73, %dma_wait3A_74] : memref<8x224xf32, #tpu.memory_space<vmem>> -> memref<8x128xf32, #tpu.memory_space<vmem>>
    %dma_wait3A_76 = arith.constant 0 : i32
    %dma_wait3A_77 = tpu.memref_slice %arg3[%dma_wait3A, %dma_wait3A_72, %mul3A_16, %dma_wait3A_76] : memref<2x1x224x224xf32, #tpu.memory_space<hbm>> -> memref<1x1x8x128xf32, #tpu.memory_space<hbm>>
    %dma_wait3A_78 = tpu.memref_squeeze %dma_wait3A_77 : memref<1x1x8x128xf32, #tpu.memory_space<hbm>> -> memref<8x128xf32, #tpu.memory_space<hbm>>
    %dma_wait3A_79 = arith.constant 0 : i32
    %dma_wait3A_80 = arith.constant 0 : i32
    %dma_wait3A_81 = tpu.memref_slice %arg5[%dma_wait3A_79, %dma_wait3A_80] : memref<8x224xf32, #tpu.memory_space<vmem>> -> memref<8x128xf32, #tpu.memory_space<vmem>>
    %dma_wait3A_82 = arith.constant 0 : i32
    %dma_wait3A_83 = tpu.memref_slice %arg3[%dma_wait3A, %dma_wait3A_72, %mul3A_16, %dma_wait3A_82] : memref<2x1x224x224xf32, #tpu.memory_space<hbm>> -> memref<1x1x8x128xf32, #tpu.memory_space<hbm>>
    %dma_wait3A_84 = tpu.memref_squeeze %dma_wait3A_83 : memref<1x1x8x128xf32, #tpu.memory_space<hbm>> -> memref<8x128xf32, #tpu.memory_space<hbm>>
    tpu.wait_dma2 semaphore(%arg8 : memref<!tpu.dma_semaphore, #tpu.memory_space<semaphore_mem>>) src(%dma_wait3A_84 : memref<8x128xf32, #tpu.memory_space<hbm>>) dst(%dma_wait3A_81 : memref<8x128xf32, #tpu.memory_space<vmem>>)
    %dma_wait3A_85 = arith.constant 0 : i32
    %dma_wait3A_86 = arith.constant 0 : i32
    %dma_wait3A_87 = arith.constant 0 : i32
    %dma_wait3A_88 = arith.constant 128 : i32
    %dma_wait3A_89 = tpu.memref_slice %arg5[%dma_wait3A_87, %dma_wait3A_88] : memref<8x224xf32, #tpu.memory_space<vmem>> -> memref<8x96xf32, #tpu.memory_space<vmem>>
    %dma_wait3A_90 = arith.constant 128 : i32
    %dma_wait3A_91 = tpu.memref_slice %arg3[%dma_wait3A_85, %dma_wait3A_86, %mul3A_16, %dma_wait3A_90] : memref<2x1x224x224xf32, #tpu.memory_space<hbm>> -> memref<1x1x8x96xf32, #tpu.memory_space<hbm>>
    %dma_wait3A_92 = tpu.memref_squeeze %dma_wait3A_91 : memref<1x1x8x96xf32, #tpu.memory_space<hbm>> -> memref<8x96xf32, #tpu.memory_space<hbm>>
    %dma_wait3A_93 = arith.constant 0 : i32
    %dma_wait3A_94 = arith.constant 128 : i32
    %dma_wait3A_95 = tpu.memref_slice %arg5[%dma_wait3A_93, %dma_wait3A_94] : memref<8x224xf32, #tpu.memory_space<vmem>> -> memref<8x96xf32, #tpu.memory_space<vmem>>
    %dma_wait3A_96 = arith.constant 128 : i32
    %dma_wait3A_97 = tpu.memref_slice %arg3[%dma_wait3A_85, %dma_wait3A_86, %mul3A_16, %dma_wait3A_96] : memref<2x1x224x224xf32, #tpu.memory_space<hbm>> -> memref<1x1x8x96xf32, #tpu.memory_space<hbm>>
    %dma_wait3A_98 = tpu.memref_squeeze %dma_wait3A_97 : memref<1x1x8x96xf32, #tpu.memory_space<hbm>> -> memref<8x96xf32, #tpu.memory_space<hbm>>
    tpu.wait_dma2 semaphore(%arg8 : memref<!tpu.dma_semaphore, #tpu.memory_space<semaphore_mem>>) src(%dma_wait3A_98 : memref<8x96xf32, #tpu.memory_space<hbm>>) dst(%dma_wait3A_95 : memref<8x96xf32, #tpu.memory_space<vmem>>)
    %dma_wait3A_99 = arith.constant 0 : i32
    %dma_wait3A_100 = arith.constant 0 : i32
    %dma_wait3A_101 = arith.constant 0 : i32
    %dma_wait3A_102 = arith.constant 0 : i32
    %dma_wait3A_103 = tpu.memref_slice %arg6[%dma_wait3A_101, %dma_wait3A_102] : memref<8x224xf32, #tpu.memory_space<vmem>> -> memref<8x128xf32, #tpu.memory_space<vmem>>
    %dma_wait3A_104 = arith.constant 0 : i32
    %dma_wait3A_105 = tpu.memref_slice %arg2[%dma_wait3A_99, %dma_wait3A_100, %mul3A_16, %dma_wait3A_104] : memref<2x1x224x224xf32, #tpu.memory_space<hbm>> -> memref<1x1x8x128xf32, #tpu.memory_space<hbm>>
    %dma_wait3A_106 = tpu.memref_squeeze %dma_wait3A_105 : memref<1x1x8x128xf32, #tpu.memory_space<hbm>> -> memref<8x128xf32, #tpu.memory_space<hbm>>
    %dma_wait3A_107 = arith.constant 0 : i32
    %dma_wait3A_108 = arith.constant 0 : i32
    %dma_wait3A_109 = tpu.memref_slice %arg6[%dma_wait3A_107, %dma_wait3A_108] : memref<8x224xf32, #tpu.memory_space<vmem>> -> memref<8x128xf32, #tpu.memory_space<vmem>>
    %dma_wait3A_110 = arith.constant 0 : i32
    %dma_wait3A_111 = tpu.memref_slice %arg2[%dma_wait3A_99, %dma_wait3A_100, %mul3A_16, %dma_wait3A_110] : memref<2x1x224x224xf32, #tpu.memory_space<hbm>> -> memref<1x1x8x128xf32, #tpu.memory_space<hbm>>
    %dma_wait3A_112 = tpu.memref_squeeze %dma_wait3A_111 : memref<1x1x8x128xf32, #tpu.memory_space<hbm>> -> memref<8x128xf32, #tpu.memory_space<hbm>>
    tpu.wait_dma2 semaphore(%arg8 : memref<!tpu.dma_semaphore, #tpu.memory_space<semaphore_mem>>) src(%dma_wait3A_112 : memref<8x128xf32, #tpu.memory_space<hbm>>) dst(%dma_wait3A_109 : memref<8x128xf32, #tpu.memory_space<vmem>>)
    %dma_wait3A_113 = arith.constant 0 : i32
    %dma_wait3A_114 = arith.constant 0 : i32
    %dma_wait3A_115 = arith.constant 0 : i32
    %dma_wait3A_116 = arith.constant 128 : i32
    %dma_wait3A_117 = tpu.memref_slice %arg6[%dma_wait3A_115, %dma_wait3A_116] : memref<8x224xf32, #tpu.memory_space<vmem>> -> memref<8x96xf32, #tpu.memory_space<vmem>>
    %dma_wait3A_118 = arith.constant 128 : i32
    %dma_wait3A_119 = tpu.memref_slice %arg2[%dma_wait3A_113, %dma_wait3A_114, %mul3A_16, %dma_wait3A_118] : memref<2x1x224x224xf32, #tpu.memory_space<hbm>> -> memref<1x1x8x96xf32, #tpu.memory_space<hbm>>
    %dma_wait3A_120 = tpu.memref_squeeze %dma_wait3A_119 : memref<1x1x8x96xf32, #tpu.memory_space<hbm>> -> memref<8x96xf32, #tpu.memory_space<hbm>>
    %dma_wait3A_121 = arith.constant 0 : i32
    %dma_wait3A_122 = arith.constant 128 : i32
    %dma_wait3A_123 = tpu.memref_slice %arg6[%dma_wait3A_121, %dma_wait3A_122] : memref<8x224xf32, #tpu.memory_space<vmem>> -> memref<8x96xf32, #tpu.memory_space<vmem>>
    %dma_wait3A_124 = arith.constant 128 : i32
    %dma_wait3A_125 = tpu.memref_slice %arg2[%dma_wait3A_113, %dma_wait3A_114, %mul3A_16, %dma_wait3A_124] : memref<2x1x224x224xf32, #tpu.memory_space<hbm>> -> memref<1x1x8x96xf32, #tpu.memory_space<hbm>>
    %dma_wait3A_126 = tpu.memref_squeeze %dma_wait3A_125 : memref<1x1x8x96xf32, #tpu.memory_space<hbm>> -> memref<8x96xf32, #tpu.memory_space<hbm>>
    tpu.wait_dma2 semaphore(%arg8 : memref<!tpu.dma_semaphore, #tpu.memory_space<semaphore_mem>>) src(%dma_wait3A_126 : memref<8x96xf32, #tpu.memory_space<hbm>>) dst(%dma_wait3A_123 : memref<8x96xf32, #tpu.memory_space<vmem>>)
    %broadcast_in_dim3A = arith.constant 0.000000e+00 : f32
    %broadcast_in_dim3A_127 = vector.broadcast %broadcast_in_dim3A : f32 to vector<16xf32>
    %rem3A_128 = arith.constant 2 : i32
    %rem3A_129 = arith.remsi %arg1, %rem3A_128 : i32
    %mul3A_130 = arith.constant 4 : i32
    %mul3A_131 = arith.muli %rem3A_129, %mul3A_130 : i32
    %scan3A = arith.constant 0 : i32
    %scan3A_132 = arith.constant 4 : i32
    %scan3A_133 = arith.addi %scan3A, %scan3A_132 : i32
    %scan3A_134 = arith.constant 1 : i32
    %scan3A_135:2 = scf.for %scan3A_140 = %scan3A to %scan3A_133 step %scan3A_134 iter_args(%scan3A_141 = %broadcast_in_dim3A_127, %scan3A_142 = %broadcast_in_dim3A_127) -> (vector<16xf32>, vector<16xf32>)  : i32 {
      %add3A_143 = arith.addi %mul3A_131, %scan3A_140 : i32
      %iota3A = tpu.iota {dimensions = array<i32: 0>} : vector<16xi32>
      %add3A_144 = arith.constant 1 : i32
      %add3A_145 = vector.broadcast %add3A_144 : i32 to vector<16xi32>
      %add3A_146 = arith.addi %iota3A, %add3A_145 : vector<16xi32>
      %min3A = arith.constant 15 : i32
      %min3A_147 = vector.broadcast %min3A : i32 to vector<16xi32>
      %min3A_148 = arith.minsi %add3A_146, %min3A_147 : vector<16xi32>
      %sub3A_149 = arith.constant 1 : i32
      %sub3A_150 = vector.broadcast %sub3A_149 : i32 to vector<16xi32>
      %sub3A_151 = arith.subi %iota3A, %sub3A_150 : vector<16xi32>
      %max3A = arith.constant 0 : i32
      %max3A_152 = vector.broadcast %max3A : i32 to vector<16xi32>
      %max3A_153 = arith.maxsi %sub3A_151, %max3A_152 : vector<16xi32>
      %get3A = arith.index_cast %add3A_143 : i32 to index
      %get3A_154 = arith.constant 0 : index
      %get3A_155 = tpu.vector_load %arg5[%get3A, %get3A_154] {strides = array<i32>} : memref<8x224xf32, #tpu.memory_space<vmem>>, vector<1x16xf32>,
      %get3A_156 = vector.shape_cast %get3A_155 : vector<1x16xf32> to vector<16xf32>
      %scan3A_157 = arith.constant 0 : i32
      %scan3A_158 = arith.constant 6 : i32
      %scan3A_159 = arith.addi %scan3A_157, %scan3A_158 : i32
      %scan3A_160 = arith.constant 1 : i32
      %scan3A_161:4 = scf.for %scan3A_292 = %scan3A_157 to %scan3A_159 step %scan3A_160 iter_args(%scan3A_293 = %scan3A_141, %scan3A_294 = %scan3A_142, %scan3A_295 = %get3A_156, %scan3A_296 = %broadcast_in_dim3A_127) -> (vector<16xf32>, vector<16xf32>, vector<16xf32>, vector<16xf32>)  : i32 {
        %mul3A_297 = arith.constant 2 : i32
        %mul3A_298 = arith.muli %mul3A_297, %scan3A_292 : i32
        %mul3A_299 = arith.constant 16 : i32
        %mul3A_300 = arith.muli %mul3A_299, %mul3A_298 : i32
        %add3A_301 = arith.constant 16 : i32
        %add3A_302 = arith.addi %mul3A_300, %add3A_301 : i32
        %get3A_303 = arith.index_cast %add3A_143 : i32 to index
        %get3A_304 = arith.index_cast %add3A_302 : i32 to index
        %get3A_305 = tpu.vector_load %arg5[%get3A_303, %get3A_304] {strides = array<i32>} : memref<8x224xf32, #tpu.memory_space<vmem>>, vector<1x16xf32>,
        %get3A_306 = vector.shape_cast %get3A_305 : vector<1x16xf32> to vector<16xf32>
        %get3A_307 = arith.index_cast %add3A_143 : i32 to index
        %get3A_308 = arith.index_cast %mul3A_300 : i32 to index
        %get3A_309 = tpu.vector_load %arg6[%get3A_307, %get3A_308] {strides = array<i32>} : memref<8x224xf32, #tpu.memory_space<vmem>>, vector<1x16xf32>,
        %get3A_310 = vector.shape_cast %get3A_309 : vector<1x16xf32> to vector<16xf32>
        %add3A_311 = vector.broadcast %mul3A_300 : i32 to vector<16xi32>
        %add3A_312 = arith.addi %iota3A, %add3A_311 : vector<16xi32>
        %broadcast_in_dim3A_313 = vector.shape_cast %min3A_148 : vector<16xi32> to vector<16x1xi32>
        %gather3A_314 = vector.shape_cast %broadcast_in_dim3A_313 : vector<16x1xi32> to vector<16xi32>
        %gather3A_315 = tpu.dynamic_gather %scan3A_295[%gather3A_314] in [0] : vector<16xf32>, vector<16xi32> -> vector<16xf32>
        %mul3A_316 = arith.constant 0 : i32
        %mul3A_317 = vector.broadcast %mul3A_316 : i32 to vector<16xi32>
        %mul3A_318 = arith.muli %iota3A, %mul3A_317 : vector<16xi32>
        %broadcast_in_dim3A_319 = vector.shape_cast %mul3A_318 : vector<16xi32> to vector<16x1xi32>
        %gather3A_320 = vector.shape_cast %broadcast_in_dim3A_319 : vector<16x1xi32> to vector<16xi32>
        %gather3A_321 = tpu.dynamic_gather %get3A_306[%gather3A_320] in [0] : vector<16xf32>, vector<16xi32> -> vector<16xf32>
        %lt3A_322 = arith.constant 15 : i32
        %lt3A_323 = vector.broadcast %lt3A_322 : i32 to vector<16xi32>
        %lt3A_324 = arith.cmpi slt, %iota3A, %lt3A_323 : vector<16xi32>
        %select_n3A_325 = arith.select %lt3A_324, %gather3A_315, %gather3A_321 : vector<16xi1>, vector<16xf32>
        %gt3A_326 = arith.constant 0 : i32
        %gt3A_327 = vector.broadcast %gt3A_326 : i32 to vector<16xi32>
        %gt3A_328 = arith.cmpi sgt, %iota3A, %gt3A_327 : vector<16xi32>
        %broadcast_in_dim3A_329 = vector.shape_cast %max3A_153 : vector<16xi32> to vector<16x1xi32>
        %gather3A_330 = vector.shape_cast %broadcast_in_dim3A_329 : vector<16x1xi32> to vector<16xi32>
        %gather3A_331 = tpu.dynamic_gather %scan3A_295[%gather3A_330] in [0] : vector<16xf32>, vector<16xi32> -> vector<16xf32>
        %select_n3A_332 = arith.select %gt3A_328, %gather3A_331, %scan3A_296 : vector<16xi1>, vector<16xf32>
        %lt3A_333 = arith.constant 223 : i32
        %lt3A_334 = vector.broadcast %lt3A_333 : i32 to vector<16xi32>
        %lt3A_335 = arith.cmpi slt, %add3A_312, %lt3A_334 : vector<16xi32>
        %ne3A_336 = arith.constant 0.000000e+00 : f32
        %ne3A_337 = vector.broadcast %ne3A_336 : f32 to vector<16xf32>
        %ne3A_338 = arith.cmpf one, %select_n3A_325, %ne3A_337 : vector<16xf32>
        %and3A_339 = arith.andi %lt3A_335, %ne3A_338 : vector<16xi1>
        %ne3A_340 = arith.constant 0.000000e+00 : f32
        %ne3A_341 = vector.broadcast %ne3A_340 : f32 to vector<16xf32>
        %ne3A_342 = arith.cmpf one, %scan3A_295, %ne3A_341 : vector<16xf32>
        %ge3A_343 = arith.constant 1 : i32
        %ge3A_344 = vector.broadcast %ge3A_343 : i32 to vector<16xi32>
        %ge3A_345 = arith.cmpi sge, %add3A_312, %ge3A_344 : vector<16xi32>
        %and3A_346 = arith.andi %ge3A_345, %ne3A_342 : vector<16xi1>
        %ge3A_347 = arith.constant 2 : i32
        %ge3A_348 = vector.broadcast %ge3A_347 : i32 to vector<16xi32>
        %ge3A_349 = arith.cmpi sge, %add3A_312, %ge3A_348 : vector<16xi32>
        %ne3A_350 = arith.constant 0.000000e+00 : f32
        %ne3A_351 = vector.broadcast %ne3A_350 : f32 to vector<16xf32>
        %ne3A_352 = arith.cmpf one, %select_n3A_332, %ne3A_351 : vector<16xf32>
        %and3A_353 = arith.andi %ge3A_349, %ne3A_352 : vector<16xi1>
        %select_n3A_354 = arith.select %and3A_353, %select_n3A_332, %scan3A_295 : vector<16xi1>, vector<16xf32>
        %select_n3A_355 = arith.select %and3A_346, %scan3A_295, %select_n3A_354 : vector<16xi1>, vector<16xf32>
        %select_n3A_356 = arith.select %and3A_339, %select_n3A_325, %select_n3A_355 : vector<16xi1>, vector<16xf32>
        %sub3A_357 = arith.subf %get3A_310, %scan3A_295 : vector<16xf32>
        %mul3A_358 = arith.mulf %sub3A_357, %sub3A_357 : vector<16xf32>
        %sub3A_359 = arith.subf %get3A_310, %select_n3A_356 : vector<16xf32>
        %mul3A_360 = arith.mulf %sub3A_359, %sub3A_359 : vector<16xf32>
        %mul3A_361 = arith.mulf %mul3A_360, %sub3A_359 : vector<16xf32>
        %add3A_362 = arith.constant 5.000000e-02 : f32
        %add3A_363 = vector.broadcast %add3A_362 : f32 to vector<16xf32>
        %add3A_364 = arith.addf %mul3A_361, %add3A_363 : vector<16xf32>
        %min3A_365 = arith.minimumf %mul3A_358, %add3A_364 : vector<16xf32>
        %mul3A_366 = arith.constant 3.000000e+01 : f32
        %mul3A_367 = vector.broadcast %mul3A_366 : f32 to vector<16xf32>
        %mul3A_368 = arith.mulf %min3A_365, %mul3A_367 : vector<16xf32>
        %select_n3A_369 = arith.select %ne3A_342, %mul3A_368, %min3A_365 : vector<16xi1>, vector<16xf32>
        %mul3A_370 = arith.constant 0 : i32
        %mul3A_371 = vector.broadcast %mul3A_370 : i32 to vector<16xi32>
        %mul3A_372 = arith.muli %iota3A, %mul3A_371 : vector<16xi32>
        %add3A_373 = arith.constant 15 : i32
        %add3A_374 = vector.broadcast %add3A_373 : i32 to vector<16xi32>
        %add3A_375 = arith.addi %mul3A_372, %add3A_374 : vector<16xi32>
        %broadcast_in_dim3A_376 = vector.shape_cast %add3A_375 : vector<16xi32> to vector<16x1xi32>
        %gather3A_377 = vector.shape_cast %broadcast_in_dim3A_376 : vector<16x1xi32> to vector<16xi32>
        %gather3A_378 = tpu.dynamic_gather %scan3A_295[%gather3A_377] in [0] : vector<16xf32>, vector<16xi32> -> vector<16xf32>
        %add3A_379 = arith.addf %scan3A_293, %select_n3A_369 : vector<16xf32>
        %mul3A_380 = arith.constant 2 : i32
        %mul3A_381 = arith.muli %mul3A_380, %scan3A_292 : i32
        %add3A_382 = arith.constant 1 : i32
        %add3A_383 = arith.addi %mul3A_381, %add3A_382 : i32
        %mul3A_384 = arith.constant 16 : i32
        %mul3A_385 = arith.muli %mul3A_384, %add3A_383 : i32
        %add3A_386 = arith.constant 16 : i32
        %add3A_387 = arith.addi %mul3A_385, %add3A_386 : i32
        %get3A_388 = arith.index_cast %add3A_143 : i32 to index
        %get3A_389 = arith.index_cast %add3A_387 : i32 to index
        %get3A_390 = tpu.vector_load %arg5[%get3A_388, %get3A_389] {strides = array<i32>} : memref<8x224xf32, #tpu.memory_space<vmem>>, vector<1x16xf32>,
        %get3A_391 = vector.shape_cast %get3A_390 : vector<1x16xf32> to vector<16xf32>
        %get3A_392 = arith.index_cast %add3A_143 : i32 to index
        %get3A_393 = arith.index_cast %mul3A_385 : i32 to index
        %get3A_394 = tpu.vector_load %arg6[%get3A_392, %get3A_393] {strides = array<i32>} : memref<8x224xf32, #tpu.memory_space<vmem>>, vector<1x16xf32>,
        %get3A_395 = vector.shape_cast %get3A_394 : vector<1x16xf32> to vector<16xf32>
        %add3A_396 = vector.broadcast %mul3A_385 : i32 to vector<16xi32>
        %add3A_397 = arith.addi %iota3A, %add3A_396 : vector<16xi32>
        %broadcast_in_dim3A_398 = vector.shape_cast %min3A_148 : vector<16xi32> to vector<16x1xi32>
        %gather3A_399 = vector.shape_cast %broadcast_in_dim3A_398 : vector<16x1xi32> to vector<16xi32>
        %gather3A_400 = tpu.dynamic_gather %get3A_306[%gather3A_399] in [0] : vector<16xf32>, vector<16xi32> -> vector<16xf32>
        %mul3A_401 = arith.constant 0 : i32
        %mul3A_402 = vector.broadcast %mul3A_401 : i32 to vector<16xi32>
        %mul3A_403 = arith.muli %iota3A, %mul3A_402 : vector<16xi32>
        %broadcast_in_dim3A_404 = vector.shape_cast %mul3A_403 : vector<16xi32> to vector<16x1xi32>
        %gather3A_405 = vector.shape_cast %broadcast_in_dim3A_404 : vector<16x1xi32> to vector<16xi32>
        %gather3A_406 = tpu.dynamic_gather %get3A_391[%gather3A_405] in [0] : vector<16xf32>, vector<16xi32> -> vector<16xf32>
        %lt3A_407 = arith.constant 15 : i32
        %lt3A_408 = vector.broadcast %lt3A_407 : i32 to vector<16xi32>
        %lt3A_409 = arith.cmpi slt, %iota3A, %lt3A_408 : vector<16xi32>
        %select_n3A_410 = arith.select %lt3A_409, %gather3A_400, %gather3A_406 : vector<16xi1>, vector<16xf32>
        %gt3A_411 = arith.constant 0 : i32
        %gt3A_412 = vector.broadcast %gt3A_411 : i32 to vector<16xi32>
        %gt3A_413 = arith.cmpi sgt, %iota3A, %gt3A_412 : vector<16xi32>
        %broadcast_in_dim3A_414 = vector.shape_cast %max3A_153 : vector<16xi32> to vector<16x1xi32>
        %gather3A_415 = vector.shape_cast %broadcast_in_dim3A_414 : vector<16x1xi32> to vector<16xi32>
        %gather3A_416 = tpu.dynamic_gather %get3A_306[%gather3A_415] in [0] : vector<16xf32>, vector<16xi32> -> vector<16xf32>
        %select_n3A_417 = arith.select %gt3A_413, %gather3A_416, %gather3A_378 : vector<16xi1>, vector<16xf32>
        %lt3A_418 = arith.constant 223 : i32
        %lt3A_419 = vector.broadcast %lt3A_418 : i32 to vector<16xi32>
        %lt3A_420 = arith.cmpi slt, %add3A_397, %lt3A_419 : vector<16xi32>
        %ne3A_421 = arith.constant 0.000000e+00 : f32
        %ne3A_422 = vector.broadcast %ne3A_421 : f32 to vector<16xf32>
        %ne3A_423 = arith.cmpf one, %select_n3A_410, %ne3A_422 : vector<16xf32>
        %and3A_424 = arith.andi %lt3A_420, %ne3A_423 : vector<16xi1>
        %ne3A_425 = arith.constant 0.000000e+00 : f32
        %ne3A_426 = vector.broadcast %ne3A_425 : f32 to vector<16xf32>
        %ne3A_427 = arith.cmpf one, %get3A_306, %ne3A_426 : vector<16xf32>
        %ge3A_428 = arith.constant 1 : i32
        %ge3A_429 = vector.broadcast %ge3A_428 : i32 to vector<16xi32>
        %ge3A_430 = arith.cmpi sge, %add3A_397, %ge3A_429 : vector<16xi32>
        %and3A_431 = arith.andi %ge3A_430, %ne3A_427 : vector<16xi1>
        %ge3A_432 = arith.constant 2 : i32
        %ge3A_433 = vector.broadcast %ge3A_432 : i32 to vector<16xi32>
        %ge3A_434 = arith.cmpi sge, %add3A_397, %ge3A_433 : vector<16xi32>
        %ne3A_435 = arith.constant 0.000000e+00 : f32
        %ne3A_436 = vector.broadcast %ne3A_435 : f32 to vector<16xf32>
        %ne3A_437 = arith.cmpf one, %select_n3A_417, %ne3A_436 : vector<16xf32>
        %and3A_438 = arith.andi %ge3A_434, %ne3A_437 : vector<16xi1>
        %select_n3A_439 = arith.select %and3A_438, %select_n3A_417, %get3A_306 : vector<16xi1>, vector<16xf32>
        %select_n3A_440 = arith.select %and3A_431, %get3A_306, %select_n3A_439 : vector<16xi1>, vector<16xf32>
        %select_n3A_441 = arith.select %and3A_424, %select_n3A_410, %select_n3A_440 : vector<16xi1>, vector<16xf32>
        %sub3A_442 = arith.subf %get3A_395, %get3A_306 : vector<16xf32>
        %mul3A_443 = arith.mulf %sub3A_442, %sub3A_442 : vector<16xf32>
        %sub3A_444 = arith.subf %get3A_395, %select_n3A_441 : vector<16xf32>
        %mul3A_445 = arith.mulf %sub3A_444, %sub3A_444 : vector<16xf32>
        %mul3A_446 = arith.mulf %mul3A_445, %sub3A_444 : vector<16xf32>
        %add3A_447 = arith.constant 5.000000e-02 : f32
        %add3A_448 = vector.broadcast %add3A_447 : f32 to vector<16xf32>
        %add3A_449 = arith.addf %mul3A_446, %add3A_448 : vector<16xf32>
        %min3A_450 = arith.minimumf %mul3A_443, %add3A_449 : vector<16xf32>
        %mul3A_451 = arith.constant 3.000000e+01 : f32
        %mul3A_452 = vector.broadcast %mul3A_451 : f32 to vector<16xf32>
        %mul3A_453 = arith.mulf %min3A_450, %mul3A_452 : vector<16xf32>
        %select_n3A_454 = arith.select %ne3A_427, %mul3A_453, %min3A_450 : vector<16xi1>, vector<16xf32>
        %mul3A_455 = arith.constant 0 : i32
        %mul3A_456 = vector.broadcast %mul3A_455 : i32 to vector<16xi32>
        %mul3A_457 = arith.muli %iota3A, %mul3A_456 : vector<16xi32>
        %add3A_458 = arith.constant 15 : i32
        %add3A_459 = vector.broadcast %add3A_458 : i32 to vector<16xi32>
        %add3A_460 = arith.addi %mul3A_457, %add3A_459 : vector<16xi32>
        %broadcast_in_dim3A_461 = vector.shape_cast %add3A_460 : vector<16xi32> to vector<16x1xi32>
        %gather3A_462 = vector.shape_cast %broadcast_in_dim3A_461 : vector<16x1xi32> to vector<16xi32>
        %gather3A_463 = tpu.dynamic_gather %get3A_306[%gather3A_462] in [0] : vector<16xf32>, vector<16xi32> -> vector<16xf32>
        %add3A_464 = arith.addf %scan3A_294, %select_n3A_454 : vector<16xf32>
        scf.yield %add3A_379, %add3A_464, %get3A_391, %gather3A_463 : vector<16xf32>, vector<16xf32>, vector<16xf32>, vector<16xf32>
      }
      %scan3A_162 = arith.constant 6 : i32
      %get3A_163 = arith.index_cast %add3A_143 : i32 to index
      %get3A_164 = arith.constant 208 : index
      %get3A_165 = tpu.vector_load %arg5[%get3A_163, %get3A_164] {strides = array<i32>} : memref<8x224xf32, #tpu.memory_space<vmem>>, vector<1x16xf32>,
      %get3A_166 = vector.shape_cast %get3A_165 : vector<1x16xf32> to vector<16xf32>
      %get3A_167 = arith.index_cast %add3A_143 : i32 to index
      %get3A_168 = arith.constant 192 : index
      %get3A_169 = tpu.vector_load %arg6[%get3A_167, %get3A_168] {strides = array<i32>} : memref<8x224xf32, #tpu.memory_space<vmem>>, vector<1x16xf32>,
      %get3A_170 = vector.shape_cast %get3A_169 : vector<1x16xf32> to vector<16xf32>
      %add3A_171 = arith.constant 192 : i32
      %add3A_172 = vector.broadcast %add3A_171 : i32 to vector<16xi32>
      %add3A_173 = arith.addi %iota3A, %add3A_172 : vector<16xi32>
      %broadcast_in_dim3A_174 = vector.shape_cast %min3A_148 : vector<16xi32> to vector<16x1xi32>
      %gather3A = vector.shape_cast %broadcast_in_dim3A_174 : vector<16x1xi32> to vector<16xi32>
      %gather3A_175 = tpu.dynamic_gather %scan3A_161#2[%gather3A] in [0] : vector<16xf32>, vector<16xi32> -> vector<16xf32>
      %mul3A_176 = arith.constant 0 : i32
      %mul3A_177 = vector.broadcast %mul3A_176 : i32 to vector<16xi32>
      %mul3A_178 = arith.muli %iota3A, %mul3A_177 : vector<16xi32>
      %broadcast_in_dim3A_179 = vector.shape_cast %mul3A_178 : vector<16xi32> to vector<16x1xi32>
      %gather3A_180 = vector.shape_cast %broadcast_in_dim3A_179 : vector<16x1xi32> to vector<16xi32>
      %gather3A_181 = tpu.dynamic_gather %get3A_166[%gather3A_180] in [0] : vector<16xf32>, vector<16xi32> -> vector<16xf32>
      %lt3A = arith.constant 15 : i32
      %lt3A_182 = vector.broadcast %lt3A : i32 to vector<16xi32>
      %lt3A_183 = arith.cmpi slt, %iota3A, %lt3A_182 : vector<16xi32>
      %select_n3A_184 = arith.select %lt3A_183, %gather3A_175, %gather3A_181 : vector<16xi1>, vector<16xf32>
      %gt3A = arith.constant 0 : i32
      %gt3A_185 = vector.broadcast %gt3A : i32 to vector<16xi32>
      %gt3A_186 = arith.cmpi sgt, %iota3A, %gt3A_185 : vector<16xi32>
      %broadcast_in_dim3A_187 = vector.shape_cast %max3A_153 : vector<16xi32> to vector<16x1xi32>
      %gather3A_188 = vector.shape_cast %broadcast_in_dim3A_187 : vector<16x1xi32> to vector<16xi32>
      %gather3A_189 = tpu.dynamic_gather %scan3A_161#2[%gather3A_188] in [0] : vector<16xf32>, vector<16xi32> -> vector<16xf32>
      %select_n3A_190 = arith.select %gt3A_186, %gather3A_189, %scan3A_161#3 : vector<16xi1>, vector<16xf32>
      %lt3A_191 = arith.constant 223 : i32
      %lt3A_192 = vector.broadcast %lt3A_191 : i32 to vector<16xi32>
      %lt3A_193 = arith.cmpi slt, %add3A_173, %lt3A_192 : vector<16xi32>
      %ne3A_194 = arith.constant 0.000000e+00 : f32
      %ne3A_195 = vector.broadcast %ne3A_194 : f32 to vector<16xf32>
      %ne3A_196 = arith.cmpf one, %select_n3A_184, %ne3A_195 : vector<16xf32>
      %and3A_197 = arith.andi %lt3A_193, %ne3A_196 : vector<16xi1>
      %ne3A_198 = arith.constant 0.000000e+00 : f32
      %ne3A_199 = vector.broadcast %ne3A_198 : f32 to vector<16xf32>
      %ne3A_200 = arith.cmpf one, %scan3A_161#2, %ne3A_199 : vector<16xf32>
      %ge3A = arith.constant 1 : i32
      %ge3A_201 = vector.broadcast %ge3A : i32 to vector<16xi32>
      %ge3A_202 = arith.cmpi sge, %add3A_173, %ge3A_201 : vector<16xi32>
      %and3A_203 = arith.andi %ge3A_202, %ne3A_200 : vector<16xi1>
      %ge3A_204 = arith.constant 2 : i32
      %ge3A_205 = vector.broadcast %ge3A_204 : i32 to vector<16xi32>
      %ge3A_206 = arith.cmpi sge, %add3A_173, %ge3A_205 : vector<16xi32>
      %ne3A_207 = arith.constant 0.000000e+00 : f32
      %ne3A_208 = vector.broadcast %ne3A_207 : f32 to vector<16xf32>
      %ne3A_209 = arith.cmpf one, %select_n3A_190, %ne3A_208 : vector<16xf32>
      %and3A_210 = arith.andi %ge3A_206, %ne3A_209 : vector<16xi1>
      %select_n3A_211 = arith.select %and3A_210, %select_n3A_190, %scan3A_161#2 : vector<16xi1>, vector<16xf32>
      %select_n3A_212 = arith.select %and3A_203, %scan3A_161#2, %select_n3A_211 : vector<16xi1>, vector<16xf32>
      %select_n3A_213 = arith.select %and3A_197, %select_n3A_184, %select_n3A_212 : vector<16xi1>, vector<16xf32>
      %sub3A_214 = arith.subf %get3A_170, %scan3A_161#2 : vector<16xf32>
      %mul3A_215 = arith.mulf %sub3A_214, %sub3A_214 : vector<16xf32>
      %sub3A_216 = arith.subf %get3A_170, %select_n3A_213 : vector<16xf32>
      %mul3A_217 = arith.mulf %sub3A_216, %sub3A_216 : vector<16xf32>
      %mul3A_218 = arith.mulf %mul3A_217, %sub3A_216 : vector<16xf32>
      %add3A_219 = arith.constant 5.000000e-02 : f32
      %add3A_220 = vector.broadcast %add3A_219 : f32 to vector<16xf32>
      %add3A_221 = arith.addf %mul3A_218, %add3A_220 : vector<16xf32>
      %min3A_222 = arith.minimumf %mul3A_215, %add3A_221 : vector<16xf32>
      %mul3A_223 = arith.constant 3.000000e+01 : f32
      %mul3A_224 = vector.broadcast %mul3A_223 : f32 to vector<16xf32>
      %mul3A_225 = arith.mulf %min3A_222, %mul3A_224 : vector<16xf32>
      %select_n3A_226 = arith.select %ne3A_200, %mul3A_225, %min3A_222 : vector<16xi1>, vector<16xf32>
      %mul3A_227 = arith.constant 0 : i32
      %mul3A_228 = vector.broadcast %mul3A_227 : i32 to vector<16xi32>
      %mul3A_229 = arith.muli %iota3A, %mul3A_228 : vector<16xi32>
      %add3A_230 = arith.constant 15 : i32
      %add3A_231 = vector.broadcast %add3A_230 : i32 to vector<16xi32>
      %add3A_232 = arith.addi %mul3A_229, %add3A_231 : vector<16xi32>
      %broadcast_in_dim3A_233 = vector.shape_cast %add3A_232 : vector<16xi32> to vector<16x1xi32>
      %gather3A_234 = vector.shape_cast %broadcast_in_dim3A_233 : vector<16x1xi32> to vector<16xi32>
      %gather3A_235 = tpu.dynamic_gather %scan3A_161#2[%gather3A_234] in [0] : vector<16xf32>, vector<16xi32> -> vector<16xf32>
      %add3A_236 = arith.addf %scan3A_161#0, %select_n3A_226 : vector<16xf32>
      %get3A_237 = arith.index_cast %add3A_143 : i32 to index
      %get3A_238 = arith.constant 208 : index
      %get3A_239 = tpu.vector_load %arg6[%get3A_237, %get3A_238] {strides = array<i32>} : memref<8x224xf32, #tpu.memory_space<vmem>>, vector<1x16xf32>,
      %get3A_240 = vector.shape_cast %get3A_239 : vector<1x16xf32> to vector<16xf32>
      %add3A_241 = arith.constant 208 : i32
      %add3A_242 = vector.broadcast %add3A_241 : i32 to vector<16xi32>
      %add3A_243 = arith.addi %iota3A, %add3A_242 : vector<16xi32>
      %broadcast_in_dim3A_244 = vector.shape_cast %min3A_148 : vector<16xi32> to vector<16x1xi32>
      %gather3A_245 = vector.shape_cast %broadcast_in_dim3A_244 : vector<16x1xi32> to vector<16xi32>
      %gather3A_246 = tpu.dynamic_gather %get3A_166[%gather3A_245] in [0] : vector<16xf32>, vector<16xi32> -> vector<16xf32>
      %gt3A_247 = arith.constant 0 : i32
      %gt3A_248 = vector.broadcast %gt3A_247 : i32 to vector<16xi32>
      %gt3A_249 = arith.cmpi sgt, %iota3A, %gt3A_248 : vector<16xi32>
      %broadcast_in_dim3A_250 = vector.shape_cast %max3A_153 : vector<16xi32> to vector<16x1xi32>
      %gather3A_251 = vector.shape_cast %broadcast_in_dim3A_250 : vector<16x1xi32> to vector<16xi32>
      %gather3A_252 = tpu.dynamic_gather %get3A_166[%gather3A_251] in [0] : vector<16xf32>, vector<16xi32> -> vector<16xf32>
      %select_n3A_253 = arith.select %gt3A_249, %gather3A_252, %gather3A_235 : vector<16xi1>, vector<16xf32>
      %lt3A_254 = arith.constant 223 : i32
      %lt3A_255 = vector.broadcast %lt3A_254 : i32 to vector<16xi32>
      %lt3A_256 = arith.cmpi slt, %add3A_243, %lt3A_255 : vector<16xi32>
      %ne3A_257 = arith.constant 0.000000e+00 : f32
      %ne3A_258 = vector.broadcast %ne3A_257 : f32 to vector<16xf32>
      %ne3A_259 = arith.cmpf one, %gather3A_246, %ne3A_258 : vector<16xf32>
      %and3A_260 = arith.andi %lt3A_256, %ne3A_259 : vector<16xi1>
      %ne3A_261 = arith.constant 0.000000e+00 : f32
      %ne3A_262 = vector.broadcast %ne3A_261 : f32 to vector<16xf32>
      %ne3A_263 = arith.cmpf one, %get3A_166, %ne3A_262 : vector<16xf32>
      %ge3A_264 = arith.constant 1 : i32
      %ge3A_265 = vector.broadcast %ge3A_264 : i32 to vector<16xi32>
      %ge3A_266 = arith.cmpi sge, %add3A_243, %ge3A_265 : vector<16xi32>
      %and3A_267 = arith.andi %ge3A_266, %ne3A_263 : vector<16xi1>
      %ge3A_268 = arith.constant 2 : i32
      %ge3A_269 = vector.broadcast %ge3A_268 : i32 to vector<16xi32>
      %ge3A_270 = arith.cmpi sge, %add3A_243, %ge3A_269 : vector<16xi32>
      %ne3A_271 = arith.constant 0.000000e+00 : f32
      %ne3A_272 = vector.broadcast %ne3A_271 : f32 to vector<16xf32>
      %ne3A_273 = arith.cmpf one, %select_n3A_253, %ne3A_272 : vector<16xf32>
      %and3A_274 = arith.andi %ge3A_270, %ne3A_273 : vector<16xi1>
      %select_n3A_275 = arith.select %and3A_274, %select_n3A_253, %get3A_166 : vector<16xi1>, vector<16xf32>
      %select_n3A_276 = arith.select %and3A_267, %get3A_166, %select_n3A_275 : vector<16xi1>, vector<16xf32>
      %select_n3A_277 = arith.select %and3A_260, %gather3A_246, %select_n3A_276 : vector<16xi1>, vector<16xf32>
      %sub3A_278 = arith.subf %get3A_240, %get3A_166 : vector<16xf32>
      %mul3A_279 = arith.mulf %sub3A_278, %sub3A_278 : vector<16xf32>
      %sub3A_280 = arith.subf %get3A_240, %select_n3A_277 : vector<16xf32>
      %mul3A_281 = arith.mulf %sub3A_280, %sub3A_280 : vector<16xf32>
      %mul3A_282 = arith.mulf %mul3A_281, %sub3A_280 : vector<16xf32>
      %add3A_283 = arith.constant 5.000000e-02 : f32
      %add3A_284 = vector.broadcast %add3A_283 : f32 to vector<16xf32>
      %add3A_285 = arith.addf %mul3A_282, %add3A_284 : vector<16xf32>
      %min3A_286 = arith.minimumf %mul3A_279, %add3A_285 : vector<16xf32>
      %mul3A_287 = arith.constant 3.000000e+01 : f32
      %mul3A_288 = vector.broadcast %mul3A_287 : f32 to vector<16xf32>
      %mul3A_289 = arith.mulf %min3A_286, %mul3A_288 : vector<16xf32>
      %select_n3A_290 = arith.select %ne3A_263, %mul3A_289, %min3A_286 : vector<16xi1>, vector<16xf32>
      %add3A_291 = arith.addf %add3A_236, %select_n3A_290 : vector<16xf32>
      scf.yield %add3A_291, %scan3A_161#1 : vector<16xf32>, vector<16xf32>
    }
    %scan3A_136 = arith.constant 4 : i32
    %add3A = arith.addf %scan3A_135#0, %scan3A_135#1 : vector<16xf32>
    %swap3A = arith.constant 0 : index
    %swap3A_137 = tpu.vector_load %arg7[%swap3A] {strides = array<i32>} : memref<16xf32, #tpu.memory_space<vmem>>, vector<16xf32>,
    %swap3A_138 = vector.shape_cast %swap3A_137 : vector<16xf32> to vector<16xf32>
    %swap3A_139 = vector.shape_cast %add3A : vector<16xf32> to vector<16xf32>
    tpu.vector_store %arg7[%swap3A], %swap3A_139 {strides = array<i32>} : memref<16xf32, #tpu.memory_space<vmem>>, vector<16xf32>,
    "tpu.region"() ({
      %run_scoped3A = tpu.sem_alloc : memref<!tpu.dma_semaphore, #tpu.memory_space<semaphore_mem>>
      %dma_start3A_140 = arith.constant 0 : i32
      %dma_start3A_141 = tpu.memref_slice %arg4[%arg1, %dma_start3A_140] : memref<16x16xf32, #tpu.memory_space<hbm>> -> memref<1x16xf32, #tpu.memory_space<hbm>>
      %dma_start3A_142 = tpu.memref_squeeze %dma_start3A_141 : memref<1x16xf32, #tpu.memory_space<hbm>> -> memref<16xf32, #tpu.memory_space<hbm>>
      %dma_start3A_143 = arith.constant 0 : i32
      %dma_start3A_144 = tpu.memref_slice %arg4[%arg1, %dma_start3A_143] : memref<16x16xf32, #tpu.memory_space<hbm>> -> memref<1x16xf32, #tpu.memory_space<hbm>>
      %dma_start3A_145 = tpu.memref_squeeze %dma_start3A_144 : memref<1x16xf32, #tpu.memory_space<hbm>> -> memref<16xf32, #tpu.memory_space<hbm>>
      tpu.enqueue_dma source(%arg7 : memref<16xf32, #tpu.memory_space<vmem>>) target(%dma_start3A_145 : memref<16xf32, #tpu.memory_space<hbm>>) target_semaphore(%run_scoped3A : memref<!tpu.dma_semaphore, #tpu.memory_space<semaphore_mem>>)
      %dma_wait3A_146 = arith.constant 0 : i32
      %dma_wait3A_147 = tpu.memref_slice %arg4[%arg1, %dma_wait3A_146] : memref<16x16xf32, #tpu.memory_space<hbm>> -> memref<1x16xf32, #tpu.memory_space<hbm>>
      %dma_wait3A_148 = tpu.memref_squeeze %dma_wait3A_147 : memref<1x16xf32, #tpu.memory_space<hbm>> -> memref<16xf32, #tpu.memory_space<hbm>>
      %dma_wait3A_149 = arith.constant 0 : i32
      %dma_wait3A_150 = tpu.memref_slice %arg4[%arg1, %dma_wait3A_149] : memref<16x16xf32, #tpu.memory_space<hbm>> -> memref<1x16xf32, #tpu.memory_space<hbm>>
      %dma_wait3A_151 = tpu.memref_squeeze %dma_wait3A_150 : memref<1x16xf32, #tpu.memory_space<hbm>> -> memref<16xf32, #tpu.memory_space<hbm>>
      tpu.wait_dma2 semaphore(%run_scoped3A : memref<!tpu.dma_semaphore, #tpu.memory_space<semaphore_mem>>) src(%arg7 : memref<16xf32, #tpu.memory_space<vmem>>) dst(%dma_wait3A_151 : memref<16xf32, #tpu.memory_space<hbm>>)
      tpu.yield
    }) : () -> ()
    return
  }
}

module attributes {stable_mosaic.version = 14 : i64} {
  func.func @_tc_kernel(%arg0: i32, %arg1: memref<1x1x224x224xf32, #tpu.memory_space<vmem>>, %arg2: memref<1x1x224x224xf32, #tpu.memory_space<vmem>>, %arg3: memref<1x1xf32, #tpu.memory_space<smem>>) attributes {dimension_semantics = [#tpu.dimension_semantics<arbitrary>], iteration_bounds = array<i64: 2>, scalar_prefetch = 0 : i64, scratch_operands = 0 : i64, tpu.core_type = #tpu.core_type<tc>, window_params = [{transform_indices = @transform_0, window_bounds = array<i64: 1, 1, 224, 224>}, {transform_indices = @transform_1, window_bounds = array<i64: 1, 1, 224, 224>}, {transform_indices = @transform_2, window_bounds = array<i64: 1, 1>}]} {
    %get3A = arith.constant 0 : index
    %get3A_0 = arith.constant 0 : index
    %get3A_1 = arith.constant 0 : index
    %get3A_2 = arith.constant 0 : index
    %get3A_3 = vector.load %arg2[%get3A, %get3A_0, %get3A_1, %get3A_2] : memref<1x1x224x224xf32, #tpu.memory_space<vmem>>, vector<1x1x224x224xf32>
    %get3A_4 = vector.shape_cast %get3A_3 : vector<1x1x224x224xf32> to vector<224x224xf32>
    %get3A_5 = arith.constant 0 : index
    %get3A_6 = arith.constant 0 : index
    %get3A_7 = arith.constant 0 : index
    %get3A_8 = arith.constant 0 : index
    %get3A_9 = vector.load %arg1[%get3A_5, %get3A_6, %get3A_7, %get3A_8] : memref<1x1x224x224xf32, #tpu.memory_space<vmem>>, vector<1x1x224x224xf32>
    %get3A_10 = vector.shape_cast %get3A_9 : vector<1x1x224x224xf32> to vector<224x224xf32>
    %iota3A = tpu.iota {dimensions = array<i32: 0>} : vector<224x224xi32>
    %iota3A_11 = tpu.iota {dimensions = array<i32: 1>} : vector<224x224xi32>
    %slice3A = vector.extract_strided_slice %get3A_4 {offsets = [0, 1], sizes = [224, 223], strides = [1, 1]} : vector<224x224xf32> to vector<224x223xf32>
    %slice3A_12 = vector.extract_strided_slice %get3A_4 {offsets = [0, 0], sizes = [224, 1], strides = [1, 1]} : vector<224x224xf32> to vector<224x1xf32>
    %concatenate3A = tpu.concatenate %slice3A, %slice3A_12 in 1 : vector<224x223xf32>, vector<224x1xf32> -> vector<224x224xf32>
    %slice3A_13 = vector.extract_strided_slice %get3A_4 {offsets = [0, 223], sizes = [224, 1], strides = [1, 1]} : vector<224x224xf32> to vector<224x1xf32>
    %slice3A_14 = vector.extract_strided_slice %get3A_4 {offsets = [0, 0], sizes = [224, 223], strides = [1, 1]} : vector<224x224xf32> to vector<224x223xf32>
    %concatenate3A_15 = tpu.concatenate %slice3A_13, %slice3A_14 in 1 : vector<224x1xf32>, vector<224x223xf32> -> vector<224x224xf32>
    %lt3A = arith.constant 223 : i32
    %lt3A_16 = vector.broadcast %lt3A : i32 to vector<224x224xi32>
    %lt3A_17 = arith.cmpi slt, %iota3A_11, %lt3A_16 : vector<224x224xi32>
    %ne3A = arith.constant 0.000000e+00 : f32
    %ne3A_18 = vector.broadcast %ne3A : f32 to vector<224x224xf32>
    %ne3A_19 = arith.cmpf one, %concatenate3A, %ne3A_18 : vector<224x224xf32>
    %and3A = arith.andi %lt3A_17, %ne3A_19 : vector<224x224xi1>
    %ge3A = arith.constant 1 : i32
    %ge3A_20 = vector.broadcast %ge3A : i32 to vector<224x224xi32>
    %ge3A_21 = arith.cmpi sge, %iota3A_11, %ge3A_20 : vector<224x224xi32>
    %ne3A_22 = arith.constant 0.000000e+00 : f32
    %ne3A_23 = vector.broadcast %ne3A_22 : f32 to vector<224x224xf32>
    %ne3A_24 = arith.cmpf one, %get3A_4, %ne3A_23 : vector<224x224xf32>
    %and3A_25 = arith.andi %ge3A_21, %ne3A_24 : vector<224x224xi1>
    %ge3A_26 = arith.constant 2 : i32
    %ge3A_27 = vector.broadcast %ge3A_26 : i32 to vector<224x224xi32>
    %ge3A_28 = arith.cmpi sge, %iota3A_11, %ge3A_27 : vector<224x224xi32>
    %ne3A_29 = arith.constant 0.000000e+00 : f32
    %ne3A_30 = vector.broadcast %ne3A_29 : f32 to vector<224x224xf32>
    %ne3A_31 = arith.cmpf one, %concatenate3A_15, %ne3A_30 : vector<224x224xf32>
    %and3A_32 = arith.andi %ge3A_28, %ne3A_31 : vector<224x224xi1>
    %select_n3A = arith.select %and3A_32, %concatenate3A_15, %get3A_4 : vector<224x224xi1>, vector<224x224xf32>
    %select_n3A_33 = arith.select %and3A_25, %get3A_4, %select_n3A : vector<224x224xi1>, vector<224x224xf32>
    %select_n3A_34 = arith.select %and3A, %concatenate3A, %select_n3A_33 : vector<224x224xi1>, vector<224x224xf32>
    %sub3A = arith.subf %get3A_10, %get3A_4 : vector<224x224xf32>
    %mul3A = arith.mulf %sub3A, %sub3A : vector<224x224xf32>
    %sub3A_35 = arith.subf %get3A_10, %select_n3A_34 : vector<224x224xf32>
    %mul3A_36 = arith.mulf %sub3A_35, %sub3A_35 : vector<224x224xf32>
    %mul3A_37 = arith.mulf %mul3A_36, %sub3A_35 : vector<224x224xf32>
    %add3A = arith.constant 5.000000e-02 : f32
    %add3A_38 = vector.broadcast %add3A : f32 to vector<224x224xf32>
    %add3A_39 = arith.addf %mul3A_37, %add3A_38 : vector<224x224xf32>
    %min3A = arith.minimumf %mul3A, %add3A_39 : vector<224x224xf32>
    %ne3A_40 = arith.constant 0.000000e+00 : f32
    %ne3A_41 = vector.broadcast %ne3A_40 : f32 to vector<224x224xf32>
    %ne3A_42 = arith.cmpf one, %get3A_4, %ne3A_41 : vector<224x224xf32>
    %mul3A_43 = arith.constant 3.000000e+01 : f32
    %mul3A_44 = vector.broadcast %mul3A_43 : f32 to vector<224x224xf32>
    %mul3A_45 = arith.mulf %min3A, %mul3A_44 : vector<224x224xf32>
    %select_n3A_46 = arith.select %ne3A_42, %mul3A_45, %min3A : vector<224x224xi1>, vector<224x224xf32>
    %eq3A = arith.constant 0 : i32
    %eq3A_47 = arith.cmpi eq, %arg0, %eq3A : i32
    %jit3A = arith.constant 64 : i32
    %jit3A_48 = arith.constant 0 : i32
    %select_n3A_49 = arith.select %eq3A_47, %jit3A, %jit3A_48 : i32
    %ge3A_50 = vector.broadcast %select_n3A_49 : i32 to vector<224x224xi32>
    %ge3A_51 = arith.cmpi sge, %iota3A, %ge3A_50 : vector<224x224xi32>
    %jit3A_52 = arith.constant 0.000000e+00 : f32
    %broadcast_in_dim3A = vector.broadcast %jit3A_52 : f32 to vector<224x224xf32>
    %select_n3A_53 = arith.select %ge3A_51, %select_n3A_46, %broadcast_in_dim3A : vector<224x224xi1>, vector<224x224xf32>
    %reduce_sum3A = vector.shape_cast %select_n3A_53 : vector<224x224xf32> to vector<1x224x224xf32>
    %reduce_sum3A_54 = arith.constant dense<0.000000e+00> : vector<1xf32>
    %reduce_sum3A_55 = vector.multi_reduction <add>, %reduce_sum3A, %reduce_sum3A_54 [1, 2] : vector<1x224x224xf32> to vector<1xf32>
    %reduce_sum3A_56 = vector.shape_cast %reduce_sum3A_55 : vector<1xf32> to vector<1x1x1xf32>
    %reduce_sum3A_57 = vector.extract %reduce_sum3A_56[0, 0, 0] : f32 from vector<1x1x1xf32>
    %eq3A_58 = arith.constant 0 : i32
    %eq3A_59 = arith.cmpi eq, %arg0, %eq3A_58 : i32
    %convert_element_type3A = arith.extui %eq3A_59 : i1 to i32
    %cond3A = arith.constant 0 : i32
    %cond3A_60 = arith.cmpi ne, %convert_element_type3A, %cond3A : i32
    scf.if %cond3A_60 {
      %swap3A = arith.constant 0 : index
      %swap3A_66 = arith.constant 0 : index
      %swap3A_67 = memref.load %arg3[%swap3A, %swap3A_66] : memref<1x1xf32, #tpu.memory_space<smem>>
      memref.store %reduce_sum3A_57, %arg3[%swap3A, %swap3A_66] : memref<1x1xf32, #tpu.memory_space<smem>>
    } else {
    }
    %eq3A_61 = arith.constant 1 : i32
    %eq3A_62 = arith.cmpi eq, %arg0, %eq3A_61 : i32
    %convert_element_type3A_63 = arith.extui %eq3A_62 : i1 to i32
    %cond3A_64 = arith.constant 0 : i32
    %cond3A_65 = arith.cmpi ne, %convert_element_type3A_63, %cond3A_64 : i32
    scf.if %cond3A_65 {
      %get3A_66 = arith.constant 0 : index
      %get3A_67 = arith.constant 0 : index
      %get3A_68 = memref.load %arg3[%get3A_66, %get3A_67] : memref<1x1xf32, #tpu.memory_space<smem>>
      %add3A_69 = arith.addf %get3A_68, %reduce_sum3A_57 : f32
      %swap3A = arith.constant 0 : index
      %swap3A_70 = arith.constant 0 : index
      %swap3A_71 = memref.load %arg3[%swap3A, %swap3A_70] : memref<1x1xf32, #tpu.memory_space<smem>>
      memref.store %add3A_69, %arg3[%swap3A, %swap3A_70] : memref<1x1xf32, #tpu.memory_space<smem>>
    } else {
    }
    return
  }
  func.func @transform_0(%arg0: i32) -> (i32, i32, i32, i32) {
    %c0_i32 = arith.constant 0 : i32
    %c0_i32_0 = arith.constant 0 : i32
    %c0_i32_1 = arith.constant 0 : i32
    %c0_i32_2 = arith.constant 0 : i32
    return %arg0, %c0_i32, %c0_i32_0, %c0_i32_1 : i32, i32, i32, i32
  }
  func.func @transform_1(%arg0: i32) -> (i32, i32, i32, i32) {
    %c0_i32 = arith.constant 0 : i32
    %c0_i32_0 = arith.constant 0 : i32
    %c0_i32_1 = arith.constant 0 : i32
    %c0_i32_2 = arith.constant 0 : i32
    return %arg0, %c0_i32, %c0_i32_0, %c0_i32_1 : i32, i32, i32, i32
  }
  func.func @transform_2(%arg0: i32) -> (i32, i32) {
    %c0_i32 = arith.constant 0 : i32
    %c0_i32_0 = arith.constant 0 : i32
    %c0_i32_1 = arith.constant 0 : i32
    return %c0_i32, %c0_i32_0 : i32, i32
  }
}

</mosaic_0001>

<sc_bundles>
// kernel: kernel.4.cloned.1.call-start
scs
__scs_entry_jumppad:
0x0: {  	(pc) =	sbr.rel $0x88, $3  }
0x1: {  	(tag) =	ssettag $0x0;
	lr =	simm.s32 $0x1  }
0x2: {  	[smem:$0x3F9F] =	sst lr;
	_ =	strace $0xD0000000  }
0x3: {  	_ = 	snop  }
0x4: {  	_ = 	snop  }
0x5: {  	_ = 	snop  }
0x6: {  	_ = 	snop  }
0x7: {  	_ = 	snop  }
__scs_overlays_trampoline_lowered:
0x8: {  	[smem:$0x3FAE] =	sst s0  }
0x9: {  	[smem:$0x3FAF] =	sst s1  }
0xa: {  	[smem:$0x3FB0] =	sst s2  }
0xb: {  	[smem:$0x3FB1] =	sst s3  }
0xc: {  	[smem:$0x3FB2] =	sst s4  }
0xd: {  	[smem:$0x3FB3] =	sst s5  }
0xe: {  	[smem:$0x3FB4] =	sst s6  }
0xf: {  	[smem:$0x3FB5] =	sst s7  }
0x10: {  	[smem:$0x3FB6] =	sst s8  }
0x11: {  	[smem:$0x3FB7] =	sst s9;
	s0 =	simm.s32 @!p0 $0x0  }
0x12: {  	s1 =	sld [smem:$0x3F9D];
	s0 =	simm.s32 @p0 $0x1  }
0x13: {  	[smem:$0x3FB8] =	sst s0;
	s0 =	simm.s32 @!p1 $0x0  }
0x14: {  	s2 =	sld [smem:$0x3F9C];
	s0 =	simm.s32 @p1 $0x1  }
0x15: {  	[smem:$0x3FB9] =	sst s0;
	s0 =	simm.s32 @!p2 $0x0  }
0x16: {  	s3 =	sld [smem:$0x3FDB];
	s0 =	simm.s32 @p2 $0x1  }
0x17: {  	s4 =	simm.s32 $0x1BF5;
	[smem:$0x3FBB] =	sst s0  }
0x18: {  	s0 =	sld [smem:$0x3F9E];
	_ =	swait.ge [sflag:s4], $0x0  }
0x19: {  	s7 =	sld [smem:$0x3F9F]  }
0x1a: {  	s8 =	sadd.s32 $0xFFFFE003, lr  }
0x1b: {  	s9 =	sadd.s32 $0xFFFFFEF7, lr;
	s5 =	simm.s32 $0xFFFFFFFF;
	p2 =	slt.u32 s8, $0xFFFFF086  }
0x1c: {  	p1 =	slt.u32 s9, $0xF7A;
	s5 =	simm.s32 @!p2 $0x0  }
0x1d: {  	s5 =	simm.s32 @p1 $0x1;
	p0 =	seq.s32 s7, s2  }
0x1e: {  	s7 =	smul.u32 @!p0 $0xF7A, s2;
	p2 =	seq.s32 @!p0 s5, $0x0  }
0x1f: {  	s9 =	smul.u32 $0xF7A, s1;
	s8 =	simm.s32 @!p0 $0x1BF5;
	p2 =	por !p2, p0  }
0x20: {  	[sflag:s8] =	ssyncset.s32 @!p0 $0xFFFFF086;
	s6 =	sadd.s32 @!p0 s3, s7;
	s7 =	simm.s32 @!p0 $0x108  }
0x21: {  	s3 =	sadd.s32 s3, s9;
	s6 =	sadd.s32 @!p0 $0x88, s6;
	s7 =	simm.s32 @p2 $0x1082  }
0x22: {  	[simem:s7], [sflag:s8] =	dma.local @!p0 [hbm:s6], $0xF7A  }
0x23: {  	s9 =	sor.u32 $0xD0000000, s2;
	s6 =	simm.s32 $0x108;
	_ =	swait.ge @!p0 [sflag:s8], $0x0  }
0x24: {  	s3 =	sadd.s32 $0x88, s3;
	s6 =	simm.s32 @!p1 $0x1082;
	[sflag:s4] =	ssyncset.s32 $0xFFFFF086  }
0x25: {  	[simem:s6], [sflag:s4] =	dma.local [hbm:s3], $0xF7A  }
0x26: {  	[smem:$0x3F9F] =	sst s1;
	(tag) =	ssettag s2;
	_ =	strace s9  }
0x27: {  	s1 =	sld [smem:$0x3FAF]  }
0x28: {  	s2 =	sld [smem:$0x3FB0]  }
0x29: {  	s4 =	sld [smem:$0x3FB2]  }
0x2a: {  	p0 =	seq.s32 s5, $0x0;
	s5 =	sld [smem:$0x3FB3]  }
0x2b: {  	s6 =	sld [smem:$0x3FB4]  }
0x2c: {  	s7 =	sld [smem:$0x3FB5]  }
0x2d: {  	s3 =	simm.s32 $0x108;
	s8 =	sld [smem:$0x3FB6]  }
0x2e: {  	s3 =	simm.s32 @!p0 $0x1082;
	s9 =	sld [smem:$0x3FB7]  }
0x2f: {  	lr =	sadd.s32 s0, s3;
	s0 =	sld [smem:$0x3FAE]  }
0x30: {  	s3 =	sld [smem:$0x3FB1]  }
0x31: {  	[smem:$0x3FBA] =	sst s10  }
0x32: {  	s10 =	sld [smem:$0x3FB8];
	_ =	sdelay $0x3  }
0x33: {  	p0 =	seq.s32 s10, $0x1;
	s10 =	sld [smem:$0x3FBA];
	_ =	sdelay $0x3  }
0x34: {  	[smem:$0x3FBA] =	sst s10  }
0x35: {  	s10 =	sld [smem:$0x3FB9];
	_ =	sdelay $0x3  }
0x36: {  	p1 =	seq.s32 s10, $0x1;
	s10 =	sld [smem:$0x3FBA];
	_ =	sdelay $0x3  }
0x37: {  	[smem:$0x3FBA] =	sst s10  }
0x38: {  	s10 =	sld [smem:$0x3FBB]  }
0x39: {  	_ = 	snop;
	(pc) =	sbr.ind lr, $3  }
0x3a: {  	_ = 	snop  }
0x3b: {  	_ = 	snop  }
0x3c: {  	p2 =	seq.s32 s10, $0x1;
	s10 =	sld [smem:$0x3FBA]  }
0x3d: {  	_ =	shalt  }
0x3e: {  	_ =	shalt  }
0x3f: {  	_ =	shalt  }
0x40: {  	_ =	shalt  }
0x41: {  	_ =	shalt  }
0x42: {  	_ =	shalt  }
0x43: {  	_ =	shalt  }
0x44: {  	_ =	shalt  }
0x45: {  	_ =	shalt  }
0x46: {  	_ =	shalt  }
0x47: {  	_ =	shalt  }
0x48: {  	_ =	shalt  }
0x49: {  	_ =	shalt  }
0x4a: {  	_ =	shalt  }
0x4b: {  	_ =	shalt  }
0x4c: {  	_ =	shalt  }
0x4d: {  	_ =	shalt  }
0x4e: {  	_ =	shalt  }
0x4f: {  	_ =	shalt  }
0x50: {  	_ =	shalt  }
0x51: {  	_ =	shalt  }
0x52: {  	_ =	shalt  }
0x53: {  	_ =	shalt  }
0x54: {  	_ =	shalt  }
0x55: {  	_ =	shalt  }
0x56: {  	_ =	shalt  }
0x57: {  	_ =	shalt  }
0x58: {  	_ =	shalt  }
0x59: {  	_ =	shalt  }
0x5a: {  	_ =	shalt  }
0x5b: {  	_ =	shalt  }
0x5c: {  	_ =	shalt  }
0x5d: {  	_ =	shalt  }
0x5e: {  	_ =	shalt  }
0x5f: {  	_ =	shalt  }
0x60: {  	_ =	shalt  }
0x61: {  	_ =	shalt  }
0x62: {  	_ =	shalt  }
0x63: {  	_ =	shalt  }
0x64: {  	_ =	shalt  }
0x65: {  	_ =	shalt  }
0x66: {  	_ =	shalt  }
0x67: {  	_ =	shalt  }
0x68: {  	_ =	shalt  }
0x69: {  	_ =	shalt  }
0x6a: {  	_ =	shalt  }
0x6b: {  	_ =	shalt  }
0x6c: {  	_ =	shalt  }
0x6d: {  	_ =	shalt  }
0x6e: {  	_ =	shalt  }
0x6f: {  	_ =	shalt  }
0x70: {  	_ =	shalt  }
0x71: {  	_ =	shalt  }
0x72: {  	_ =	shalt  }
0x73: {  	_ =	shalt  }
0x74: {  	_ =	shalt  }
0x75: {  	_ =	shalt  }
0x76: {  	_ =	shalt  }
0x77: {  	_ =	shalt  }
0x78: {  	_ =	shalt  }
0x79: {  	_ =	shalt  }
0x7a: {  	_ =	shalt  }
0x7b: {  	_ =	shalt  }
0x7c: {  	_ =	shalt  }
0x7d: {  	_ =	shalt  }
0x7e: {  	_ =	shalt  }
0x7f: {  	_ =	shalt  }
0x80: {  	_ =	shalt  }
0x81: {  	_ =	shalt  }
0x82: {  	_ =	shalt  }
0x83: {  	_ =	shalt  }
0x84: {  	_ =	shalt  }
0x85: {  	_ =	shalt  }
0x86: {  	_ =	shalt  }
0x87: {  	_ =	shalt  }
.Lfunc_end0:
.L_simem_size_0:
called_computation_lowered:
.L_overlay_start_0:
0x88: {  	s0 =	sld [smem:$0x3FD9]  }
0x89: {  	s1 =	sld [smem:$0x3FFE];
	_ =	sdelay $0x3  }
0x8a: {  	s0 =	sadd.s32 s1, s0  }
0x8b: {  	[smem:$0x3FC6] =	sst s0  }
0x8c: {  	_ = 	snop  }
0x8d: {  	s0 =	sld [smem:$0x3FC9]  }
0x8e: {  	s16 =	sld [smem:$0x3FC8];
	(tm) =	ssettm $0x1  }
0x8f: {  	s2 =	sld [smem:$0x3FFB];
	_ =	sdelay $0x3  }
0x90: {  	_ =	strace s2  }
0x91: {  	s2 =	sld [smem:$0x3FFC];
	_ =	sdelay $0x3  }
0x92: {  	_ =	strace s2  }
0x93: {  	s2 =	sld [smem:$0x3FFD];
	_ =	sdelay $0x3  }
0x94: {  	_ =	strace s2  }
0x95: {  	_ =	strace $0x8FFFFFFF  }
0x96: {  	s17 =	sld [smem:$0x3FDB];
	_ =	sdelay $0x1  }
0x97: {  	s3 =	simm.s32 $_scs_section_size  }
0x98: {  	s4 =	simm.s32 $_size__tile_overlayer_lowered;
	s5 =	simm.s32 $_tile_overlayer_lowered  }
0x99: {  	s20 =	simm.s32 $0x1BFF;
	s19 =	sshll.u32 s5, $0x1;
	s2 =	sadd.s32 s3, s17  }
0x9a: {  	s6 =	simm.s32 $0x0;
	s18 =	sshll.u32 s4, $0x1;
	s4 =	sadd.s32 s19, s2  }
0x9b: {  	[timem:s6], [sflag:s20] =	dma.local [hbm:s4], s18  }
0x9c: {  	_ =	swait.ge [sflag:s20], s18  }
0x9d: {  	s3 =	ssub.s32 $0x0, s18;
	[sflag:s20] =	ssyncset.done $0x0  }
0x9e: {  	[sflag:s20] =	ssyncadd.s32 s3;
	_ =	sdelay $0x1  }
0x9f: {  	s21 =	simm.s32 $0x1B8B  }
0xa0: {  	_ =	swait.ge [sflag:s21], $0x1  }
0xa1: {  	[sflag:s21] =	ssyncset.done $0x0  }
0xa2: {  	s23 =	simm.s32 $0x1B8E;
	s22 =	sld [smem:$0x3FFE];
	[sflag:s21] =	ssyncadd.s32 $0xFFFFFFFF  }
0xa3: {  	s24 =	simm.s32 $execute0_lowered;
	[smem:$0x3FD2] =	sst s23  }
0xa4: {  	s4 =	sshll.u32 s24, $0x1;
	_ =	strace $0x80000046;
	[dreg:$0x1] =	wrdreg $0xFFFFFFFF  }
0xa5: {  	s25 =	simm.s32 $_size_execute0_lowered;
	s2 =	sadd.s32 s2, s4;
	[dreg:$0x0] =	wrdreg $0x0  }
0xa6: {  	s4 =	sshll.u32 s25, $0x1;
	[dreg:$0x2] =	wrdreg s2  }
0xa7: {  	[dreg:$0x3] =	wrdreg s4  }
0xa8: {  	[dreg:$0x4] =	wrdreg $0xC0  }
0xa9: {  	_ =	task [dreg:s6], $0x5FFFF  }
0xaa: {  	[dreg:$0x1] =	wrdreg $0xFFFFFFFF  }
0xab: {  	[dreg:$0x0] =	wrdreg $0x60  }
0xac: {  	[dreg:$0x2] =	wrdreg s0  }
0xad: {  	[dreg:$0x3] =	wrdreg s16  }
0xae: {  	[dreg:$0x4] =	wrdreg s22  }
0xaf: {  	[dreg:$0x5] =	wrdreg $0x9  }
0xb0: {  	_ =	task.clear_ibuf [dreg:s6], $0x6FFFF;
	_ =	strace $0x90000046  }
0xb1: {  	s26 =	simm.s32 $0x9;
	_ =	strace $0x80000048  }
0xb2: {  	_ =	swait.ge [sflag:s26], $0x1  }
0xb3: {  	[sflag:s26] =	ssyncadd.s32 $0xFFFFFFFF  }
0xb4: {  	_ =	strace $0x90000048  }
0xb5: {  	_ =	sfence  }
0xb6: {  	s28 =	sld [smem:$0x0];
	_ =	sdelay $0x1  }
0xb7: {  	s29 =	srdreg.scid  }
0xb8: {  	s30 =	sshll.u32 s29, $0xD;
	s31 =	sshrl.u32 s29, $0x2  }
0xb9: {  	s1 =	sand.u32 $0x1, s29;
	s2 =	sand.u32 $0x4000, s30;
	s0 =	sadd.s32 s31, s28  }
0xba: {  	s1 =	sor.u32 s2, s1;
	s0 =	sshll.u32 s0, $0x11  }
0xbb: {  	s0 =	sor.u32 s0, s1  }
0xbc: {  	s0 =	sadd.s32 $0x8F2B, s0  }
0xbd: {  	[sflag:s0] =	ssyncadd.remote.s32 $0x1  }
0xbe: {  	_ =	sfence.sel $0xFFFF  }
0xbf: {  	[dreg:$0x0] =	wrdreg $0xFFFFFFFF;
	(pc) =	sbr.abs _section_cstart, $3  }
0xc0: {  	[dreg:$0x1] =	wrdreg $0xFFFFFFFF  }
0xc1: {  	_ =	task.clear_ibuf [dreg:s6], $0x2FFFF;
	_ =	strace $0x9FFFFFFF  }
0xc2: {  	(tm) =	ssettm $0x7FFFFFFF  }
0xc3: {  	_ =	shalt  }
tec
execute0_lowered:
.L_overlay_start_1:
0x0: {  	(tag) =	ssettag $0x1  }
0x1: {  	s3 =	rddreg [dreg:$0x0]  }
0x2: {  	s4 =	rddreg [dreg:$0x1]  }
0x3: {  	s5 =	rddreg [dreg:$0x2];
	s1 =	stileid.u32  }
0x4: {  	s0 =	rddreg [dreg:$0x3];
	s2 =	simm.s32 $0x0;
	s6 =	sshll.u32 s1, $0x7  }
0x5: {  	[smem:$0x7FF] =	sst s2;
	s7 =	sand.u32 $0x700, s6  }
0x6: {  	_ =	strace $0x80000047;
	s6 =	sor.u32 $0x80, s6;
	s8 =	sadd.s32 s4, s7  }
0x7: {  	[tilespmem:s2], [sflag:$0x1] =	stream.linear.gather [hbm4b:s8+s2], $0x400, $0x38;
	[tilespmem:$0x1080] =	vst v63  }
0x8: {  	s25 =	simm.s32 $0x400;
	s4 =	sadd.s32 s4, s6  }
0x9: {  	[tilespmem:s25], [sflag:$0x1] =	stream.linear.gather [hbm4b:s4+s2], $0x400, $0x38;
	[tilespmem:$0x1080] =	vst v63  }
0xa: {  	s28 =	simm.s32 $0x800;
	s26 =	sadd.s32 s3, s7  }
0xb: {  	[tilespmem:s28], [sflag:$0x1] =	stream.linear.gather [hbm4b:s26+s2], $0x400, $0x38;
	[tilespmem:$0x1080] =	vst v63  }
0xc: {  	s29 =	simm.s32 $0xC00;
	s30 =	simm.s32 $0x1;
	s3 =	sadd.s32 s3, s6  }
0xd: {  	[tilespmem:s29], [sflag:$0x1] =	stream.linear.gather [hbm4b:s3+s2], $0x400, $0x38;
	[tilespmem:$0x1080] =	vst v63  }
0xe: {  	_ =	swait.ge [sflag:s30], $0x400  }
0xf: {  	[sflag:s30] =	ssyncset.done $0x0  }
0x10: {  	v0 =	vimm.s32 $0xFFEDCBA9;
	[sflag:s30] =	ssyncadd.s32 $0xFFFFFC00  }
0x11: {  	v1 =	vimm.s32 $0x87654321;
	v2 =	vimm.s32 $0xEDCBA987;
	_ =	swait.ge [sflag:s30], $0x400  }
0x12: {  	v3 =	vimm.s32 $0x65432100;
	v0 =	vunpack.c.l.s4.s8 v0;
	v1 =	vunpack.c.l.s4.s8 v1;
	[sflag:s30] =	ssyncset.done $0x0  }
0x13: {  	vm0 =	vmmov $0x7fff;
	vm1 =	vmmov $0x1;
	v2 =	vunpack.c.l.s4.s8 v2;
	[sflag:s30] =	ssyncadd.s32 $0xFFFFFC00  }
0x14: {  	v3 =	vunpack.c.l.s4.s8 v3;
	v0 =	vunpack.c.0.s8.s32 v0;
	v1 =	vunpack.c.0.s8.s32 v1;
	_ =	swait.ge [sflag:s30], $0x400  }
0x15: {  	v12 =	vimm.f32 $0.0e+00;
	v8 =	vimm.f32 $0.0e+00;
	v5 =	vunpack.c.0.s8.s32 v2;
	[sflag:s30] =	ssyncset.done $0x0  }
0x16: {  	v6 =	vunpack.c.0.s8.s32 v3;
	v4 =	vcombine.low v1, v0;
	v1 =	vlaneseq.u32;
	[sflag:s30] =	ssyncadd.s32 $0xFFFFFC00  }
0x17: {  	s31 =	sshll.u32 s1, $0x9;
	v3 =	vimm.s32 $0x0;
	v0 =	vimm.f32 $0.0e+00;
	v7 =	vmul.u32 $0xFFFFFFFF, v1;
	_ =	swait.ge [sflag:s30], $0x400  }
0x18: {  	v2 =	vand.u32 $0xF, v4;
	v4 =	vand.u32 $0xF, v5;
	v5 =	vimm.s32 $0xF;
	s3 =	sand.u32 $0x200, s31;
	[sflag:s30] =	ssyncset.done $0x0  }
0x19: {  	s4 =	sadd.s32 $0x400, s5;
	s5 =	simm.s32 $0x0;
	v4 =	vcombine.low v6, v4;
	v6 =	vadd.s32 $0xDF, v7;
	v7 =	vmov s3;
	[sflag:s30] =	ssyncadd.s32 $0xFFFFFC00  }
.LBB2_1:
0x1a: {  	s7 =	sshll.u32 s5, $0x7  }
0x1b: {  	s6 =	sadd.s32 s3, s7  }
0x1c: {  	v9 =	vmov s6  }
0x1d: {  	s8 =	simm.s32 $0x0  }
0x1e: {  	s10 =	sand.u32 $0x400, s2;
	s11 =	simm.s32 $0x20;
	s19 =	simm.s32 $0x100;
	v14 =	vld.idx.msk [tilespmem:v7+s7+$0x0 ss:$0x1], $0xffff  }
0x1f: {  	s20 =	simm.s32 $0x10;
	s23 =	simm.s32 $0x20;
	s9 =	sand.u32 $0x60, s8  }
0x20: {  	s11 =	sand.u32 $0x60, s11;
	s13 =	sand.u32 $0xC00, s19;
	v13 =	vor.u32 s8, v1;
	s12 =	sor.u32 s9, s10  }
0x21: {  	s24 =	simm.s32 $0x30;
	v15 =	vmov s8;
	v16 =	vmov s20;
	v22 =	vor.u32 s23, v1;
	s11 =	sor.u32 s11, s13;
	v11 =	vld.idx.msk [tilespmem:v9+s12+$0x10 ss:$0x1], $0xffff  }
0x22: {  	v23 =	vmov s24;
	vm4 =	vne.s32 v15, v1;
	vm5 =	vlt.u32 v13, $0x2;
	v10 =	vld.idx.msk [tilespmem:v9+s11+$0x0 ss:$0x1], $0xffff  }
0x23: {  	vm6 =	vlt.u32 v16, v6;
	vm2 =	vgt.f32 v14, $0.0e+00;
	vm3 =	vlt.f32 v14, $0.0e+00  }
0x24: {  	s21 =	sor.u32 $0x800, s10;
	s22 =	sand.u32 $0x70, s20;
	v16 =	vperm.xlane v14, v2;
	v17 =	vperm.xlane v14, v4;
	vm3 =	vmor vm2, vm3  }
0x25: {  	s10 =	sor.u32 s22, s21;
	vm2 =	vlt.u32 v13, $0xDF;
	v13 =	vperm.xlane v14, v5;
	vm4 =	vmand vm4, vm3  }
0x26: {  	v20 =	vld.idx.msk [tilespmem:v9+s10+$0x0 ss:$0x1], $0xffff;
	vm3 =	vmmov vm3;
	v15 =	vperm.xlane v11, v4;
	vm7 =	vlt.f32 v11, $0.0e+00  }
0x27: {  	v18 =	vperm.xlane v11, v2;
	v19 =	vperm.xlane v10, v3;
	vm10 =	vgt.f32 v11, $0.0e+00  }
0x28: {  	v25 =	vperm.xlane v11, v5;
	v13 =	vsel vm1, v13, v15;
	v15 =	vperm.xlane v11, v3  }
0x29: {  	v18 =	vsel vm0, v18, v19;
	vm8 =	vlt.f32 v13, $0.0e+00;
	vm9 =	vgt.f32 v13, $0.0e+00  }
0x2a: {  	s8 =	sor.u32 s9, s21;
	vm7 =	vmor vm10, vm7;
	vm10 =	vlt.f32 v18, $0.0e+00;
	vm8 =	vmor vm9, vm8  }
0x2b: {  	v19 =	vld.idx.msk [tilespmem:v9+s8+$0x0 ss:$0x1], $0xffff;
	v15 =	vsel vm0, v16, v15;
	v16 =	vsel vm1, v0, v17;
	v17 =	vsub.f32 v20, v11  }
0x2c: {  	vm8 =	vmneg vm8;
	vm11 =	vlt.f32 v16, $0.0e+00;
	vm12 =	vgt.f32 v16, $0.0e+00  }
0x2d: {  	vm9 =	vlt.f32 v15, $0.0e+00;
	vm11 =	vmor vm12, vm11;
	vm12 =	vgt.f32 v18, $0.0e+00  }
0x2e: {  	vm8 =	vmor vm7, vm8;
	v17 =	vmul.f32 v17, v17;
	vm11 =	vmneg vm11  }
0x2f: {  	vm10 =	vmor vm12, vm10;
	v21 =	vsel vm8, v11, v13;
	v13 =	vmov s23  }
0x30: {  	s28 =	simm.s32 $0x40;
	s7 =	simm.s32 $0x200;
	vm8 =	vlt.f32 v10, $0.0e+00;
	v24 =	vsub.f32 v19, v14;
	vm5 =	vmor vm5, vm11  }
0x31: {  	s9 =	sand.u32 $0x60, s28;
	s30 =	sand.u32 $0xC00, s7;
	vm11 =	vmand vm6, vm10;
	vm6 =	vmmov vm7;
	vm7 =	vgt.f32 v10, $0.0e+00  }
0x32: {  	s25 =	sand.u32 $0x60, s23;
	s26 =	sand.u32 $0x400, s19;
	s9 =	sor.u32 s9, s30;
	vm10 =	vlt.u32 v22, $0x2;
	vm5 =	vmor vm4, vm5;
	vm4 =	vgt.f32 v15, $0.0e+00  }
0x33: {  	s29 =	sor.u32 s25, s26;
	v11 =	vld.idx.msk [tilespmem:v9+s9+$0x0 ss:$0x1], $0xffff;
	v18 =	vsel vm11, v18, v21;
	v21 =	vmul.f32 v24, v24;
	vm4 =	vmor vm4, vm9  }
0x34: {  	vm9 =	vne.s32 v13, v1;
	v13 =	vld.idx.msk [tilespmem:v9+s29+$0x10 ss:$0x1], $0xffff;
	v14 =	vsel vm5, v14, v16;
	v16 =	vperm.xlane v10, v5  }
0x35: {  	v18 =	vsub.f32 v20, v18;
	v20 =	vperm.xlane v10, v2;
	vm12 =	vmand vm2, vm4  }
0x36: {  	vm2 =	vmor vm7, vm8;
	vm4 =	vlt.u32 v22, $0xDF;
	vm8 =	vlt.u32 v23, v6  }
0x37: {  	v22 =	vperm.xlane v10, v4;
	v14 =	vsel vm12, v15, v14;
	v23 =	vmul.f32 v18, v18  }
0x38: {  	s31 =	sor.u32 $0x800, s26;
	s10 =	sand.u32 $0x70, s24;
	vm9 =	vmand vm9, vm2;
	v27 =	vperm.xlane v11, v3;
	v19 =	vsub.f32 v19, v14  }
0x39: {  	s10 =	sor.u32 s10, s31;
	v18 =	vmul.f32 v23, v18;
	v15 =	vperm.xlane v13, v4;
	vm5 =	vlt.f32 v13, $0.0e+00  }
0x3a: {  	v14 =	vld.idx.msk [tilespmem:v9+s10+$0x0 ss:$0x1], $0xffff;
	v63 =	vperm.xlane v13, v3;
	v26 =	vperm.xlane v13, v2;
	vm11 =	vgt.f32 v13, $0.0e+00  }
0x3b: {  	v23 =	vmul.f32 v19, v19;
	vm5 =	vmor vm11, vm5;
	v28 =	vsel vm1, v16, v15  }
0x3c: {  	v16 =	vsel vm0, v26, v27;
	v15 =	vsel vm0, v20, v63;
	v20 =	vadd.f32 $5.000000070e-02, v18  }
0x3d: {  	v23 =	vmul.f32 v23, v19;
	v18 =	vsel vm1, v25, v22;
	vm7 =	vlt.f32 v28, $0.0e+00  }
0x3e: {  	vm12 =	vgt.f32 v28, $0.0e+00;
	vm11 =	vlt.f32 v16, $0.0e+00;
	vm13 =	vgt.f32 v16, $0.0e+00  }
0x3f: {  	v19 =	vsub.f32 v14, v13;
	vm14 =	vlt.f32 v18, $0.0e+00;
	vm15 =	vgt.f32 v18, $0.0e+00  }
0x40: {  	vm7 =	vmor vm12, vm7;
	v17 =	vmin.f32 v17, v20;
	v20 =	vadd.f32 $5.000000070e-02, v23  }
0x41: {  	vm14 =	vmor vm15, vm14;
	vm11 =	vmor vm13, vm11;
	vm12 =	vmneg vm7  }
0x42: {  	vm7 =	vlt.f32 v15, $0.0e+00;
	v23 =	vmul.f32 $3.000000000e+01, v17;
	vm13 =	vmneg vm14  }
0x43: {  	vm8 =	vmand vm8, vm11;
	vm12 =	vmor vm5, vm12;
	v21 =	vmin.f32 v21, v20  }
0x44: {  	s8 =	sor.u32 s25, s31;
	vm10 =	vmor vm10, vm13;
	v22 =	vmul.f32 $3.000000000e+01, v21;
	v23 =	vsel vm6, v23, v17  }
0x45: {  	s10 =	simm.s32 $0x60;
	v17 =	vld.idx.msk [tilespmem:v9+s8+$0x0 ss:$0x1], $0xffff;
	vm10 =	vmor vm9, vm10;
	v20 =	vsel vm12, v13, v28;
	v12 =	vadd.f32 v23, v12  }
.LBB2_2:
0x46: {  	s9 =	sadd.s32 $0xFFFFFFE0, s10;
	vm9 =	vgt.f32 v15, $0.0e+00;
	v23 =	vmul.f32 v19, v19  }
0x47: {  	s11 =	sadd.s32 $0xFFFFFFF0, s10;
	v19 =	vsel vm3, v22, v21;
	v21 =	vmovc v11;
	vm3 =	vmmov vm2;
	vm6 =	vmmov vm5;
	s12 =	smov.u32 s10;
	s8 =	sadd.s32 $0x20, s10  }
0x48: {  	s14 =	sand.u32 $0x400, s7;
	s7 =	sadd.s32 $0x100, s7;
	s13 =	sand.u32 $0x60, s9;
	v22 =	vor.u32 s9, v1;
	v24 =	vmov s11;
	v8 =	vadd.f32 v19, v8  }
0x49: {  	vm2 =	vgt.f32 v11, $0.0e+00;
	v19 =	vmov s9;
	s9 =	sand.u32 $0x60, s12;
	s12 =	sand.u32 $0xC00, s7;
	vm5 =	vmor vm9, vm7;
	s15 =	sor.u32 s13, s14  }
0x4a: {  	vm7 =	vlt.f32 v11, $0.0e+00;
	s11 =	sand.u32 $0x70, s11;
	s14 =	sor.u32 $0x800, s14;
	vm9 =	vne.s32 v19, v1;
	s12 =	sor.u32 s9, s12;
	vm5 =	vmand vm4, vm5;
	v25 =	vld.idx.msk [tilespmem:v9+s15+$0x10 ss:$0x1], $0xffff  }
0x4b: {  	p0 =	sne.s32 s10, $0xC0;
	v26 =	vperm.xlane v13, v5;
	vm2 =	vmor vm2, vm7;
	s9 =	sor.u32 s13, s14;
	s11 =	sor.u32 s11, s14;
	v19 =	vsub.f32 v17, v10;
	v11 =	vld.idx.msk [tilespmem:v9+s12+$0x0 ss:$0x1], $0xffff  }
0x4c: {  	v13 =	vsel vm8, v16, v20;
	vm11 =	vlt.u32 v22, $0x2;
	vm9 =	vmand vm9, vm2  }
0x4d: {  	vm4 =	vlt.u32 v22, $0xDF;
	v10 =	vsel vm10, v10, v18;
	v20 =	vmul.f32 v19, v19  }
0x4e: {  	v16 =	vperm.xlane v21, v5;
	vm8 =	vlt.u32 v24, v6;
	v18 =	vsub.f32 v14, v13  }
0x4f: {  	v22 =	vperm.xlane v21, v4;
	v15 =	vsel vm5, v15, v10;
	v19 =	vperm.xlane v21, v2  }
0x50: {  	v27 =	vmul.f32 v18, v18;
	v10 =	vmovc v21;
	v24 =	vperm.xlane v25, v4;
	vm5 =	vlt.f32 v25, $0.0e+00;
	v13 =	vmovc v25  }
0x51: {  	v21 =	vperm.xlane v13, v3;
	v25 =	vperm.xlane v13, v2;
	vm10 =	vgt.f32 v13, $0.0e+00  }
0x52: {  	v17 =	vsub.f32 v17, v15;
	v28 =	vperm.xlane v11, v3;
	v24 =	vsel vm1, v16, v24;
	v14 =	vld.idx.msk [tilespmem:v9+s11+$0x0 ss:$0x1], $0xffff  }
0x53: {  	v18 =	vmul.f32 v27, v18;
	vm7 =	vlt.f32 v24, $0.0e+00;
	vm12 =	vgt.f32 v24, $0.0e+00  }
0x54: {  	v16 =	vsel vm0, v25, v28;
	v25 =	vmul.f32 v17, v17;
	vm7 =	vmor vm12, vm7  }
0x55: {  	v15 =	vsel vm0, v19, v21;
	v21 =	vadd.f32 $5.000000070e-02, v18;
	vm12 =	vmneg vm7  }
0x56: {  	vm5 =	vmor vm10, vm5;
	vm7 =	vlt.f32 v15, $0.0e+00;
	v17 =	vmul.f32 v25, v17  }
0x57: {  	vm10 =	vlt.f32 v16, $0.0e+00;
	vm13 =	vgt.f32 v16, $0.0e+00;
	vm12 =	vmor vm5, vm12  }
0x58: {  	v18 =	vsel vm1, v26, v22;
	v23 =	vmin.f32 v23, v21;
	v19 =	vsub.f32 v14, v13  }
.Ltmp0:
0x59: {  	vm14 =	vlt.f32 v18, $0.0e+00;
	vm15 =	vgt.f32 v18, $0.0e+00;
	v17 =	vadd.f32 $5.000000070e-02, v17;
	(pc) =	sbr.rel @p0 .LBB2_2-.Ltmp0, $4  }
0x5a: {  	vm14 =	vmor vm15, vm14;
	vm10 =	vmor vm13, vm10;
	v25 =	vmul.f32 $3.000000000e+01, v23  }
0x5b: {  	vm13 =	vmneg vm14;
	vm8 =	vmand vm8, vm10;
	v21 =	vmin.f32 v20, v17  }
0x5c: {  	vm10 =	vmor vm11, vm13;
	v23 =	vsel vm6, v25, v23;
	v22 =	vmul.f32 $3.000000000e+01, v21;
	v17 =	vld.idx.msk [tilespmem:v9+s9+$0x0 ss:$0x1], $0xffff  }
0x5d: {  	s10 =	smov.u32 s8;
	vm10 =	vmor vm9, vm10;
	v20 =	vsel vm12, v13, v24;
	v12 =	vadd.f32 v23, v12  }
0x5e: {  	vm6 =	vgt.f32 v15, $0.0e+00;
	v21 =	vsel vm3, v22, v21;
	v13 =	vperm.xlane v13, v5  }
0x5f: {  	s7 =	sor.u32 $0x450, s6;
	v16 =	vsel vm8, v16, v20;
	v50 =	vperm.xlane v11, v2;
	v52 =	vperm.xlane v11, v4  }
0x60: {  	v18 =	vsel vm10, v10, v18;
	vm12 =	vlt.f32 v11, $0.0e+00;
	v9 =	vld [tilespmem:s7+$0x0];
	vm3 =	vmor vm6, vm7  }
0x61: {  	vm13 =	vgt.f32 v11, $0.0e+00;
	vm3 =	vmand vm4, vm3;
	v13 =	vsel vm1, v13, v52  }
0x62: {  	v15 =	vsel vm3, v15, v18;
	vm3 =	vlt.f32 v13, $0.0e+00;
	vm15 =	vgt.f32 v13, $0.0e+00  }
0x63: {  	v53 =	vperm.xlane v11, v5;
	v19 =	vmul.f32 v19, v19;
	vm6 =	vmor vm15, vm3  }
0x64: {  	v14 =	vsub.f32 v14, v16;
	vm3 =	vmor vm13, vm12;
	vm6 =	vmneg vm6  }
0x65: {  	v15 =	vsub.f32 v17, v15;
	v51 =	vperm.xlane v9, v3;
	vm6 =	vmor vm3, vm6  }
0x66: {  	v54 =	vperm.xlane v9, v4;
	v55 =	vperm.xlane v9, v2;
	vm12 =	vlt.f32 v9, $0.0e+00  }
0x67: {  	vm13 =	vgt.f32 v9, $0.0e+00;
	v59 =	vmul.f32 v15, v15;
	v16 =	vsel vm0, v50, v51  }
0x68: {  	v56 =	vld [tilespmem:s6+$0xC40];
	v57 =	vsel vm1, v53, v54;
	vm14 =	vlt.f32 v16, $0.0e+00;
	vm9 =	vgt.f32 v16, $0.0e+00  }
0x69: {  	vm15 =	vgt.f32 v57, $0.0e+00;
	vm4 =	vmor vm9, vm14;
	vm14 =	vlt.f32 v57, $0.0e+00  }
0x6a: {  	v58 =	vld [tilespmem:s6+$0xC50];
	v13 =	vsel vm6, v11, v13;
	vm6 =	vlt.f32 v55, $0.0e+00;
	vm7 =	vmor vm15, vm14  }
0x6b: {  	vm14 =	vgt.f32 v55, $0.0e+00;
	vm15 =	vmor vm13, vm12;
	vm7 =	vmneg vm7  }
0x6c: {  	v13 =	vsel vm4, v16, v13;
	vm6 =	vmor vm14, vm6;
	vm7 =	vmor vm15, vm7  }
0x6d: {  	v13 =	vsub.f32 v56, v13;
	vm6 =	vmand vm6, vm0;
	v16 =	vsel vm7, v9, v57  }
0x6e: {  	v10 =	vsub.f32 v17, v10;
	v15 =	vmul.f32 v59, v15;
	v16 =	vsel vm6, v55, v16  }
0x6f: {  	v61 =	vmul.f32 v14, v14;
	v60 =	vmul.f32 v13, v13;
	v16 =	vsub.f32 v58, v16  }
0x70: {  	v10 =	vmul.f32 v10, v10;
	v11 =	vsub.f32 v56, v11;
	v15 =	vadd.f32 $5.000000070e-02, v15  }
0x71: {  	vm2 =	vmmov vm2;
	v13 =	vmul.f32 v60, v13;
	v62 =	vmul.f32 v16, v16  }
0x72: {  	v14 =	vmul.f32 v61, v14;
	v11 =	vmul.f32 v11, v11;
	v10 =	vmin.f32 v10, v15  }
0x73: {  	v9 =	vsub.f32 v58, v9;
	v13 =	vadd.f32 $5.000000070e-02, v13;
	v15 =	vmul.f32 v62, v16  }
0x74: {  	v8 =	vadd.f32 v21, v8;
	v14 =	vadd.f32 $5.000000070e-02, v14;
	v63 =	vmul.f32 $3.000000000e+01, v10  }
0x75: {  	s5 =	sadd.s32 $0x1, s5;
	v9 =	vmul.f32 v9, v9;
	v11 =	vmin.f32 v11, v13;
	v13 =	vadd.f32 $5.000000070e-02, v15  }
0x76: {  	p0 =	sne.s32 s5, $0x4;
	v10 =	vsel vm2, v63, v10;
	v15 =	vmul.f32 $3.000000000e+01, v11  }
.Ltmp1:
0x77: {  	v14 =	vmin.f32 v19, v14;
	v8 =	vadd.f32 v10, v8;
	v9 =	vmin.f32 v9, v13;
	(pc) =	sbr.rel @p0 .LBB2_1-.Ltmp1, $4  }
0x78: {  	v10 =	vmul.f32 $3.000000000e+01, v14;
	v11 =	vsel vm3, v15, v11;
	v13 =	vmul.f32 $3.000000000e+01, v9  }
0x79: {  	vm2 =	vmmov vm5;
	v8 =	vadd.f32 v11, v8  }
0x7a: {  	v10 =	vsel vm2, v10, v14;
	v9 =	vsel vm15, v13, v9  }
0x7b: {  	v12 =	vadd.f32 v10, v12;
	v8 =	vadd.f32 v9, v8  }
0x7c: {  	_ = 	snop  }
0x7d: {  	v0 =	vadd.f32 v12, v8  }
0x7e: {  	s2 =	sshll.u32 s1, $0x4;
	s3 =	simm.s32 $0x0  }
0x7f: {  	s30 =	simm.s32 $0x1000;
	s31 =	simm.s32 $0x2;
	s2 =	sadd.s32 s4, s2;
	[tilespmem:$0x1000] =	vst v0  }
0x80: {  	[hbm4b:s2+s3] =	stream.linear.scatter [tilespmem:s30], [sflag:$0x2], $0x80, $0x38;
	[tilespmem:$0x1080] =	vst v63  }
0x81: {  	_ =	swait.ge [sflag:s31], $0x80  }
0x82: {  	[sflag:s31] =	ssyncset.done $0x0  }
0x83: {  	[sflag:s31] =	ssyncadd.s32 $0xFFFFFF80  }
0x84: {  	_ =	sfence.sel $0x180000  }
0x85: {  	[bflag:$0x0] =	sbarrier.arrive $0xFFFF  }
0x86: {  	p0 =	sne.s32 s1, $0x0;
	_ =	strace $0x90000047  }
0x87: {  	s0 =	sadd.s32 @!p0 $0x100000, s0;
	[bflag:$0x2] =	sbarrier.arrive $0xFFFF  }
0x88: {  	[sflag:s0] =	ssyncadd.tile.s32 @!p0 $0x1;
	_ =	shalt  }
.Lfunc_end2:
_tile_overlayer_lowered:
.L_overlay_start_2:
0x89: {  	(tag) =	ssettag $0x2  }
0x8a: {  	s0 =	rddreg [dreg:$0x0];
	s2 =	stileid.u32  }
0x8b: {  	s1 =	rddreg [dreg:$0x1];
	p0 =	sne.s32 s2, $0x0  }
0x8c: {  	s3 =	rddreg [dreg:$0x2];
	[bflag:$0x3] =	sbarrier.arrive $0xFFFF;
	s2 =	simm.s32 @!p0 $0x1C02  }
0x8d: {  	[timem:s3], [sflag:s2] =	dma.local @!p0 [hbm:s0], s1  }
0x8e: {  	s0 =	simm.s32 @!p0 $0x2  }
0x8f: {  	_ =	swait.ge @!p0 [sflag:s0], s1  }
0x90: {  	s1 =	ssub.s32 @!p0 $0x0, s1;
	[sflag:s0] =	ssyncset.done @!p0 $0x0  }
0x91: {  	[sflag:s0] =	ssyncadd.s32 @!p0 s1  }
0x92: {  	[bflag:$0x3] =	sbarrier.arrive $0xFFFF  }
0x93: {  	_ =	shalt  }

</sc_bundles>
